<compile_context>
chip_gen: v7x
topology: tpu7x:2x2x1
jax: 0.10.2.dev20260603
libtpu: 0.0.44.dev20260713+nightly
codegen_flags: <defaults>
</compile_context>

<pallas_src>
import functools

import numpy as np
import jax
import jax.numpy as jnp
from jax import lax
from jax.experimental import pallas as pl
from jax.experimental.pallas import tpu as pltpu
from jax.experimental.pallas import tpu_sc as plsc

_VOCAB = 100000
_D = 1024
_MAX_LEN = 2048
_B = 4
_SEQ = 2048
_ROWS = _B * _SEQ

_NC = 2
_NS = 16
_NW = _NC * _NS
_POS_PER_W = _SEQ // _NW
_CHUNK = 32
_HALF = _POS_PER_W // _CHUNK
_N_CHUNKS = _B * _HALF
_NBUF = 2
_LANES = 16
_GROUPS = _D // _LANES


def _positional_encoding(max_len: int, d_model: int) -> np.ndarray:
    position = np.arange(0, max_len, dtype=np.float32)[:, None]
    div_term = np.exp(
        np.arange(0, d_model, 2, dtype=np.float32)
        * np.float32(-np.log(10000.0) / d_model)
    )
    pe = np.zeros((max_len, d_model), dtype=np.float32)
    pe[:, 0::2] = np.sin(position * div_term)
    pe[:, 1::2] = np.cos(position * div_term)
    return pe


_PE = _positional_encoding(_MAX_LEN, _D)


@functools.partial(
    pl.kernel,
    out_type=jax.ShapeDtypeStruct((_B, _SEQ, _D), jnp.float32),
    mesh=plsc.VectorSubcoreMesh(core_axis_name="c", subcore_axis_name="s"),
    scratch_types=[
        pltpu.VMEM((_B * _POS_PER_W,), jnp.int32),
        pltpu.VMEM((_CHUNK, _D), jnp.float32),
        pltpu.VMEM((_CHUNK, _D), jnp.float32),
        pltpu.VMEM((_CHUNK, _D), jnp.float32),
        pltpu.SemaphoreType.DMA,
        pltpu.SemaphoreType.DMA,
        pltpu.SemaphoreType.DMA,
        pltpu.SemaphoreType.DMA,
        pltpu.SemaphoreType.DMA,
        pltpu.SemaphoreType.DMA,
    ],
)
def _emb_kernel(x_hbm, pe_hbm, table_hbm, out_hbm,
                idx_v, pe_v, rows0, rows1,
                pe_sem, idx_sem, gsem0, gsem1, osem0, osem1):
    wid = lax.axis_index("s") * _NC + lax.axis_index("c")
    pos_base = wid * _POS_PER_W

    bufs = (rows0, rows1)
    gsems = (gsem0, gsem1)
    osems = (osem0, osem1)

    idx_dmas = [
        pltpu.async_copy(
            x_hbm.at[b, pl.ds(pos_base, _POS_PER_W)],
            idx_v.at[pl.ds(b * _POS_PER_W, _POS_PER_W)],
            idx_sem,
        )
        for b in range(_B)
    ]

    def start_pe(h):
        return pltpu.async_copy(
            pe_hbm.at[pl.ds(pos_base + h * _CHUNK, _CHUNK)], pe_v, pe_sem
        )

    def chunk_half(t):
        return t // _B

    def chunk_batch(t):
        return t % _B

    def idx_off(t):
        return chunk_batch(t) * _POS_PER_W + chunk_half(t) * _CHUNK

    def out_row(t):
        return pos_base + chunk_half(t) * _CHUNK

    def start_gather(t):
        p = t % _NBUF
        return pltpu.async_copy(
            table_hbm.at[idx_v.at[pl.ds(idx_off(t), _CHUNK)]], bufs[p], gsems[p]
        )

    pe_dma = start_pe(0)
    gathers = [None] * _N_CHUNKS
    writes = [None] * _N_CHUNKS
    for d in idx_dmas:
        d.wait()
    gathers[0] = start_gather(0)

    for t in range(_N_CHUNKS):
        p = t % _NBUF
        gathers[t].wait()
        if t + 1 < _N_CHUNKS:
            if t - 1 >= 0:
                writes[t - 1].wait()
            gathers[t + 1] = start_gather(t + 1)
        if t == 0:
            pe_dma.wait()
        if t == _B:
            pe_dma.wait()

        buf = bufs[p]

        @plsc.parallel_loop(0, _CHUNK * _GROUPS, unroll=8)
        def _grp_body(i, buf=buf):
            r = lax.shift_right_logical(i, 6)
            off = lax.mul(lax.bitwise_and(i, _GROUPS - 1), _LANES)
            sl = pl.ds(off, _LANES)
            plsc.addupdate(buf.at[r, sl], pe_v[r, sl])

        if t == _B - 1:
            pe_dma = start_pe(1)

        writes[t] = pltpu.async_copy(
            buf, out_hbm.at[chunk_batch(t), pl.ds(out_row(t), _CHUNK)], osems[p]
        )

    writes[_N_CHUNKS - 2].wait()
    writes[_N_CHUNKS - 1].wait()


def kernel(x, table):
    pe = jnp.asarray(_PE)
    return _emb_kernel(x, pe, table)

# --- scband reference (transcript-rebuilt; emitter-appended) ---
"""Pipeline reference for scband-transformer-embedding-42898133352478 (READ-ONLY COPY).

The authoritative reference and input builder live on the scoring server;
editing this copy changes nothing except your own understanding.
"""

import jax, jax.numpy as jnp
import numpy as np

VOCAB_SIZE = 100000
D_MODEL = 1024
MAX_LEN = 2048


def positional_encoding(max_len, d_model):
    position = jnp.arange(0, max_len, dtype=jnp.float32)[:, None]
    div_term = jnp.exp(jnp.arange(0, d_model, 2, dtype=jnp.float32) * (-jnp.log(jnp.array(10000.0)) / d_model))
    pe = jnp.zeros((max_len, d_model), dtype=jnp.float32)
    pe = pe.at[:, 0::2].set(jnp.sin(position * div_term))
    pe = pe.at[:, 1::2].set(jnp.cos(position * div_term))
    return pe[None, :, :]


def setup_inputs(seed: int = 0) -> dict:
    key = jax.random.key(seed)
    k_x, k_tab = jax.random.split(key)
    x = jax.random.randint(k_x, (4, 2048), 0, VOCAB_SIZE, dtype=jnp.int64 if jax.config.jax_enable_x64 else jnp.int32).astype(jnp.int32)
    table = jax.random.normal(k_tab, (VOCAB_SIZE, D_MODEL), dtype=jnp.float32)
    return {"x": x, "table": table}


def reference(x, table):
    seq_len = x.shape[1]
    pe = positional_encoding(MAX_LEN, D_MODEL)
    emb = jnp.take(table, x, axis=0)
    out = emb + pe[:, :seq_len, :]
    return out

if __name__ == "__main__":
    import jax
    _d = setup_inputs()
    print(jax.jit(kernel)(*tuple(_d.values())))

</pallas_src>

<mosaic_0001>
#map = affine_map<(d0, d1) -> (0, 0)>
#map1 = affine_map<(d0, d1) -> (0, 0, 0)>
module attributes {stable_mosaic.version = 14 : i64} {
  func.func @_emb_kernel(%arg0: i32, %arg1: i32, %arg2: memref<4x2048xi32, #tpu.memory_space<hbm>>, %arg3: memref<2048x1024xf32, #tpu.memory_space<hbm>>, %arg4: memref<100000x1024xf32, #tpu.memory_space<hbm>>, %arg5: memref<4x2048x1024xf32, #tpu.memory_space<hbm>>, %arg6: memref<256xi32, #tpu.memory_space<vmem>>, %arg7: memref<32x1024xf32, #tpu.memory_space<vmem>>, %arg8: memref<32x1024xf32, #tpu.memory_space<vmem>>, %arg9: memref<32x1024xf32, #tpu.memory_space<vmem>>, %arg10: memref<!tpu.dma_semaphore, #tpu.memory_space<semaphore_mem>>, %arg11: memref<!tpu.dma_semaphore, #tpu.memory_space<semaphore_mem>>, %arg12: memref<!tpu.dma_semaphore, #tpu.memory_space<semaphore_mem>>, %arg13: memref<!tpu.dma_semaphore, #tpu.memory_space<semaphore_mem>>, %arg14: memref<!tpu.dma_semaphore, #tpu.memory_space<semaphore_mem>>, %arg15: memref<!tpu.dma_semaphore, #tpu.memory_space<semaphore_mem>>) attributes {dimension_semantics = [#tpu.dimension_semantics<core_parallel>, #tpu.dimension_semantics<subcore_parallel>], iteration_bounds = array<i64: 2, 16>, scalar_prefetch = 0 : i64, scratch_operands = 10 : i64, tpu.core_type = #tpu.core_type<sc_vector_subcore>, window_params = [{transform_indices = #map}, {transform_indices = #map}, {transform_indices = #map}, {transform_indices = #map1}]} {
    %mul3A = arith.constant 2 : i32
    %mul3A_0 = arith.muli %arg1, %mul3A : i32
    %add3A = arith.addi %mul3A_0, %arg0 : i32
    %mul3A_1 = arith.constant 64 : i32
    %mul3A_2 = arith.muli %add3A, %mul3A_1 : i32
    %dma_start3A = arith.constant 0 : i32
    %dma_start3A_3 = arith.constant 0 : i32
    %dma_start3A_4 = tpu.memref_slice %arg6[%dma_start3A_3] : memref<256xi32, #tpu.memory_space<vmem>> -> memref<64xi32, #tpu.memory_space<vmem>>
    %dma_start3A_5 = tpu.memref_slice %arg2[%dma_start3A, %mul3A_2] : memref<4x2048xi32, #tpu.memory_space<hbm>> -> memref<1x64xi32, #tpu.memory_space<hbm>>
    %dma_start3A_6 = tpu.memref_squeeze %dma_start3A_5 : memref<1x64xi32, #tpu.memory_space<hbm>> -> memref<64xi32, #tpu.memory_space<hbm>>
    %dma_start3A_7 = arith.constant 0 : i32
    %dma_start3A_8 = tpu.memref_slice %arg6[%dma_start3A_7] : memref<256xi32, #tpu.memory_space<vmem>> -> memref<64xi32, #tpu.memory_space<vmem>>
    %dma_start3A_9 = tpu.memref_slice %arg2[%dma_start3A, %mul3A_2] : memref<4x2048xi32, #tpu.memory_space<hbm>> -> memref<1x64xi32, #tpu.memory_space<hbm>>
    %dma_start3A_10 = tpu.memref_squeeze %dma_start3A_9 : memref<1x64xi32, #tpu.memory_space<hbm>> -> memref<64xi32, #tpu.memory_space<hbm>>
    tpu.enqueue_dma source(%dma_start3A_10 : memref<64xi32, #tpu.memory_space<hbm>>) target(%dma_start3A_8 : memref<64xi32, #tpu.memory_space<vmem>>) target_semaphore(%arg11 : memref<!tpu.dma_semaphore, #tpu.memory_space<semaphore_mem>>)
    %dma_start3A_11 = arith.constant 1 : i32
    %dma_start3A_12 = arith.constant 64 : i32
    %dma_start3A_13 = tpu.memref_slice %arg6[%dma_start3A_12] : memref<256xi32, #tpu.memory_space<vmem>> -> memref<64xi32, #tpu.memory_space<vmem>>
    %dma_start3A_14 = tpu.memref_slice %arg2[%dma_start3A_11, %mul3A_2] : memref<4x2048xi32, #tpu.memory_space<hbm>> -> memref<1x64xi32, #tpu.memory_space<hbm>>
    %dma_start3A_15 = tpu.memref_squeeze %dma_start3A_14 : memref<1x64xi32, #tpu.memory_space<hbm>> -> memref<64xi32, #tpu.memory_space<hbm>>
    %dma_start3A_16 = arith.constant 64 : i32
    %dma_start3A_17 = tpu.memref_slice %arg6[%dma_start3A_16] : memref<256xi32, #tpu.memory_space<vmem>> -> memref<64xi32, #tpu.memory_space<vmem>>
    %dma_start3A_18 = tpu.memref_slice %arg2[%dma_start3A_11, %mul3A_2] : memref<4x2048xi32, #tpu.memory_space<hbm>> -> memref<1x64xi32, #tpu.memory_space<hbm>>
    %dma_start3A_19 = tpu.memref_squeeze %dma_start3A_18 : memref<1x64xi32, #tpu.memory_space<hbm>> -> memref<64xi32, #tpu.memory_space<hbm>>
    tpu.enqueue_dma source(%dma_start3A_19 : memref<64xi32, #tpu.memory_space<hbm>>) target(%dma_start3A_17 : memref<64xi32, #tpu.memory_space<vmem>>) target_semaphore(%arg11 : memref<!tpu.dma_semaphore, #tpu.memory_space<semaphore_mem>>)
    %dma_start3A_20 = arith.constant 2 : i32
    %dma_start3A_21 = arith.constant 128 : i32
    %dma_start3A_22 = tpu.memref_slice %arg6[%dma_start3A_21] : memref<256xi32, #tpu.memory_space<vmem>> -> memref<64xi32, #tpu.memory_space<vmem>>
    %dma_start3A_23 = tpu.memref_slice %arg2[%dma_start3A_20, %mul3A_2] : memref<4x2048xi32, #tpu.memory_space<hbm>> -> memref<1x64xi32, #tpu.memory_space<hbm>>
    %dma_start3A_24 = tpu.memref_squeeze %dma_start3A_23 : memref<1x64xi32, #tpu.memory_space<hbm>> -> memref<64xi32, #tpu.memory_space<hbm>>
    %dma_start3A_25 = arith.constant 128 : i32
    %dma_start3A_26 = tpu.memref_slice %arg6[%dma_start3A_25] : memref<256xi32, #tpu.memory_space<vmem>> -> memref<64xi32, #tpu.memory_space<vmem>>
    %dma_start3A_27 = tpu.memref_slice %arg2[%dma_start3A_20, %mul3A_2] : memref<4x2048xi32, #tpu.memory_space<hbm>> -> memref<1x64xi32, #tpu.memory_space<hbm>>
    %dma_start3A_28 = tpu.memref_squeeze %dma_start3A_27 : memref<1x64xi32, #tpu.memory_space<hbm>> -> memref<64xi32, #tpu.memory_space<hbm>>
    tpu.enqueue_dma source(%dma_start3A_28 : memref<64xi32, #tpu.memory_space<hbm>>) target(%dma_start3A_26 : memref<64xi32, #tpu.memory_space<vmem>>) target_semaphore(%arg11 : memref<!tpu.dma_semaphore, #tpu.memory_space<semaphore_mem>>)
    %dma_start3A_29 = arith.constant 3 : i32
    %dma_start3A_30 = arith.constant 192 : i32
    %dma_start3A_31 = tpu.memref_slice %arg6[%dma_start3A_30] : memref<256xi32, #tpu.memory_space<vmem>> -> memref<64xi32, #tpu.memory_space<vmem>>
    %dma_start3A_32 = tpu.memref_slice %arg2[%dma_start3A_29, %mul3A_2] : memref<4x2048xi32, #tpu.memory_space<hbm>> -> memref<1x64xi32, #tpu.memory_space<hbm>>
    %dma_start3A_33 = tpu.memref_squeeze %dma_start3A_32 : memref<1x64xi32, #tpu.memory_space<hbm>> -> memref<64xi32, #tpu.memory_space<hbm>>
    %dma_start3A_34 = arith.constant 192 : i32
    %dma_start3A_35 = tpu.memref_slice %arg6[%dma_start3A_34] : memref<256xi32, #tpu.memory_space<vmem>> -> memref<64xi32, #tpu.memory_space<vmem>>
    %dma_start3A_36 = tpu.memref_slice %arg2[%dma_start3A_29, %mul3A_2] : memref<4x2048xi32, #tpu.memory_space<hbm>> -> memref<1x64xi32, #tpu.memory_space<hbm>>
    %dma_start3A_37 = tpu.memref_squeeze %dma_start3A_36 : memref<1x64xi32, #tpu.memory_space<hbm>> -> memref<64xi32, #tpu.memory_space<hbm>>
    tpu.enqueue_dma source(%dma_start3A_37 : memref<64xi32, #tpu.memory_space<hbm>>) target(%dma_start3A_35 : memref<64xi32, #tpu.memory_space<vmem>>) target_semaphore(%arg11 : memref<!tpu.dma_semaphore, #tpu.memory_space<semaphore_mem>>)
    %add3A_38 = arith.constant 0 : i32
    %add3A_39 = arith.addi %mul3A_2, %add3A_38 : i32
    %dma_start3A_40 = arith.constant 0 : i32
    %dma_start3A_41 = tpu.memref_slice %arg3[%add3A_39, %dma_start3A_40] : memref<2048x1024xf32, #tpu.memory_space<hbm>> -> memref<32x1024xf32, #tpu.memory_space<hbm>>
    %dma_start3A_42 = arith.constant 0 : i32
    %dma_start3A_43 = tpu.memref_slice %arg3[%add3A_39, %dma_start3A_42] : memref<2048x1024xf32, #tpu.memory_space<hbm>> -> memref<32x1024xf32, #tpu.memory_space<hbm>>
    tpu.enqueue_dma source(%dma_start3A_43 : memref<32x1024xf32, #tpu.memory_space<hbm>>) target(%arg7 : memref<32x1024xf32, #tpu.memory_space<vmem>>) target_semaphore(%arg10 : memref<!tpu.dma_semaphore, #tpu.memory_space<semaphore_mem>>)
    %dma_wait3A = arith.constant 0 : i32
    %dma_wait3A_44 = arith.constant 0 : i32
    %dma_wait3A_45 = tpu.memref_slice %arg6[%dma_wait3A_44] : memref<256xi32, #tpu.memory_space<vmem>> -> memref<64xi32, #tpu.memory_space<vmem>>
    %dma_wait3A_46 = tpu.memref_slice %arg2[%dma_wait3A, %mul3A_2] : memref<4x2048xi32, #tpu.memory_space<hbm>> -> memref<1x64xi32, #tpu.memory_space<hbm>>
    %dma_wait3A_47 = tpu.memref_squeeze %dma_wait3A_46 : memref<1x64xi32, #tpu.memory_space<hbm>> -> memref<64xi32, #tpu.memory_space<hbm>>
    %dma_wait3A_48 = arith.constant 0 : i32
    %dma_wait3A_49 = tpu.memref_slice %arg6[%dma_wait3A_48] : memref<256xi32, #tpu.memory_space<vmem>> -> memref<64xi32, #tpu.memory_space<vmem>>
    %dma_wait3A_50 = tpu.memref_slice %arg2[%dma_wait3A, %mul3A_2] : memref<4x2048xi32, #tpu.memory_space<hbm>> -> memref<1x64xi32, #tpu.memory_space<hbm>>
    %dma_wait3A_51 = tpu.memref_squeeze %dma_wait3A_50 : memref<1x64xi32, #tpu.memory_space<hbm>> -> memref<64xi32, #tpu.memory_space<hbm>>
    tpu.wait_dma2 semaphore(%arg11 : memref<!tpu.dma_semaphore, #tpu.memory_space<semaphore_mem>>) src(%dma_wait3A_51 : memref<64xi32, #tpu.memory_space<hbm>>) dst(%dma_wait3A_49 : memref<64xi32, #tpu.memory_space<vmem>>)
    %dma_wait3A_52 = arith.constant 1 : i32
    %dma_wait3A_53 = arith.constant 64 : i32
    %dma_wait3A_54 = tpu.memref_slice %arg6[%dma_wait3A_53] : memref<256xi32, #tpu.memory_space<vmem>> -> memref<64xi32, #tpu.memory_space<vmem>>
    %dma_wait3A_55 = tpu.memref_slice %arg2[%dma_wait3A_52, %mul3A_2] : memref<4x2048xi32, #tpu.memory_space<hbm>> -> memref<1x64xi32, #tpu.memory_space<hbm>>
    %dma_wait3A_56 = tpu.memref_squeeze %dma_wait3A_55 : memref<1x64xi32, #tpu.memory_space<hbm>> -> memref<64xi32, #tpu.memory_space<hbm>>
    %dma_wait3A_57 = arith.constant 64 : i32
    %dma_wait3A_58 = tpu.memref_slice %arg6[%dma_wait3A_57] : memref<256xi32, #tpu.memory_space<vmem>> -> memref<64xi32, #tpu.memory_space<vmem>>
    %dma_wait3A_59 = tpu.memref_slice %arg2[%dma_wait3A_52, %mul3A_2] : memref<4x2048xi32, #tpu.memory_space<hbm>> -> memref<1x64xi32, #tpu.memory_space<hbm>>
    %dma_wait3A_60 = tpu.memref_squeeze %dma_wait3A_59 : memref<1x64xi32, #tpu.memory_space<hbm>> -> memref<64xi32, #tpu.memory_space<hbm>>
    tpu.wait_dma2 semaphore(%arg11 : memref<!tpu.dma_semaphore, #tpu.memory_space<semaphore_mem>>) src(%dma_wait3A_60 : memref<64xi32, #tpu.memory_space<hbm>>) dst(%dma_wait3A_58 : memref<64xi32, #tpu.memory_space<vmem>>)
    %dma_wait3A_61 = arith.constant 2 : i32
    %dma_wait3A_62 = arith.constant 128 : i32
    %dma_wait3A_63 = tpu.memref_slice %arg6[%dma_wait3A_62] : memref<256xi32, #tpu.memory_space<vmem>> -> memref<64xi32, #tpu.memory_space<vmem>>
    %dma_wait3A_64 = tpu.memref_slice %arg2[%dma_wait3A_61, %mul3A_2] : memref<4x2048xi32, #tpu.memory_space<hbm>> -> memref<1x64xi32, #tpu.memory_space<hbm>>
    %dma_wait3A_65 = tpu.memref_squeeze %dma_wait3A_64 : memref<1x64xi32, #tpu.memory_space<hbm>> -> memref<64xi32, #tpu.memory_space<hbm>>
    %dma_wait3A_66 = arith.constant 128 : i32
    %dma_wait3A_67 = tpu.memref_slice %arg6[%dma_wait3A_66] : memref<256xi32, #tpu.memory_space<vmem>> -> memref<64xi32, #tpu.memory_space<vmem>>
    %dma_wait3A_68 = tpu.memref_slice %arg2[%dma_wait3A_61, %mul3A_2] : memref<4x2048xi32, #tpu.memory_space<hbm>> -> memref<1x64xi32, #tpu.memory_space<hbm>>
    %dma_wait3A_69 = tpu.memref_squeeze %dma_wait3A_68 : memref<1x64xi32, #tpu.memory_space<hbm>> -> memref<64xi32, #tpu.memory_space<hbm>>
    tpu.wait_dma2 semaphore(%arg11 : memref<!tpu.dma_semaphore, #tpu.memory_space<semaphore_mem>>) src(%dma_wait3A_69 : memref<64xi32, #tpu.memory_space<hbm>>) dst(%dma_wait3A_67 : memref<64xi32, #tpu.memory_space<vmem>>)
    %dma_wait3A_70 = arith.constant 3 : i32
    %dma_wait3A_71 = arith.constant 192 : i32
    %dma_wait3A_72 = tpu.memref_slice %arg6[%dma_wait3A_71] : memref<256xi32, #tpu.memory_space<vmem>> -> memref<64xi32, #tpu.memory_space<vmem>>
    %dma_wait3A_73 = tpu.memref_slice %arg2[%dma_wait3A_70, %mul3A_2] : memref<4x2048xi32, #tpu.memory_space<hbm>> -> memref<1x64xi32, #tpu.memory_space<hbm>>
    %dma_wait3A_74 = tpu.memref_squeeze %dma_wait3A_73 : memref<1x64xi32, #tpu.memory_space<hbm>> -> memref<64xi32, #tpu.memory_space<hbm>>
    %dma_wait3A_75 = arith.constant 192 : i32
    %dma_wait3A_76 = tpu.memref_slice %arg6[%dma_wait3A_75] : memref<256xi32, #tpu.memory_space<vmem>> -> memref<64xi32, #tpu.memory_space<vmem>>
    %dma_wait3A_77 = tpu.memref_slice %arg2[%dma_wait3A_70, %mul3A_2] : memref<4x2048xi32, #tpu.memory_space<hbm>> -> memref<1x64xi32, #tpu.memory_space<hbm>>
    %dma_wait3A_78 = tpu.memref_squeeze %dma_wait3A_77 : memref<1x64xi32, #tpu.memory_space<hbm>> -> memref<64xi32, #tpu.memory_space<hbm>>
    tpu.wait_dma2 semaphore(%arg11 : memref<!tpu.dma_semaphore, #tpu.memory_space<semaphore_mem>>) src(%dma_wait3A_78 : memref<64xi32, #tpu.memory_space<hbm>>) dst(%dma_wait3A_76 : memref<64xi32, #tpu.memory_space<vmem>>)
    %dma_start3A_79 = arith.constant 0 : i32
    %dma_start3A_80 = tpu.memref_slice %arg6[%dma_start3A_79] : memref<256xi32, #tpu.memory_space<vmem>> -> memref<32xi32, #tpu.memory_space<vmem>>
    %dma_start3A_81 = arith.constant 0 : i32
    %dma_start3A_82 = arith.constant 0 : i32
    %dma_start3A_83 = tpu.memref_slice %arg4[%dma_start3A_81, %dma_start3A_82] : memref<100000x1024xf32, #tpu.memory_space<hbm>> -> memref<100000x1024xf32, #tpu.memory_space<hbm>>
    tpu.enqueue_indirect_dma source(%dma_start3A_83 : memref<100000x1024xf32, #tpu.memory_space<hbm>>) target(%arg8 : memref<32x1024xf32, #tpu.memory_space<vmem>>) offsets(%dma_start3A_80 : memref<32xi32, #tpu.memory_space<vmem>>) semaphore(%arg12 : memref<!tpu.dma_semaphore, #tpu.memory_space<semaphore_mem>>)
    %dma_wait3A_84 = arith.constant 0 : i32
    %dma_wait3A_85 = tpu.memref_slice %arg6[%dma_wait3A_84] : memref<256xi32, #tpu.memory_space<vmem>> -> memref<32xi32, #tpu.memory_space<vmem>>
    %dma_wait3A_86 = arith.constant 0 : i32
    %dma_wait3A_87 = arith.constant 0 : i32
    %dma_wait3A_88 = tpu.memref_slice %arg4[%dma_wait3A_86, %dma_wait3A_87] : memref<100000x1024xf32, #tpu.memory_space<hbm>> -> memref<100000x1024xf32, #tpu.memory_space<hbm>>
    tpu.wait_indirect_dma semaphore(%arg12 : memref<!tpu.dma_semaphore, #tpu.memory_space<semaphore_mem>>) src(%dma_wait3A_88 : memref<100000x1024xf32, #tpu.memory_space<hbm>>) dst(%arg8 : memref<32x1024xf32, #tpu.memory_space<vmem>>)
    %dma_start3A_89 = arith.constant 64 : i32
    %dma_start3A_90 = tpu.memref_slice %arg6[%dma_start3A_89] : memref<256xi32, #tpu.memory_space<vmem>> -> memref<32xi32, #tpu.memory_space<vmem>>
    %dma_start3A_91 = arith.constant 0 : i32
    %dma_start3A_92 = arith.constant 0 : i32
    %dma_start3A_93 = tpu.memref_slice %arg4[%dma_start3A_91, %dma_start3A_92] : memref<100000x1024xf32, #tpu.memory_space<hbm>> -> memref<100000x1024xf32, #tpu.memory_space<hbm>>
    tpu.enqueue_indirect_dma source(%dma_start3A_93 : memref<100000x1024xf32, #tpu.memory_space<hbm>>) target(%arg9 : memref<32x1024xf32, #tpu.memory_space<vmem>>) offsets(%dma_start3A_90 : memref<32xi32, #tpu.memory_space<vmem>>) semaphore(%arg13 : memref<!tpu.dma_semaphore, #tpu.memory_space<semaphore_mem>>)
    %dma_wait3A_94 = arith.constant 0 : i32
    %dma_wait3A_95 = tpu.memref_slice %arg3[%add3A_39, %dma_wait3A_94] : memref<2048x1024xf32, #tpu.memory_space<hbm>> -> memref<32x1024xf32, #tpu.memory_space<hbm>>
    %dma_wait3A_96 = arith.constant 0 : i32
    %dma_wait3A_97 = tpu.memref_slice %arg3[%add3A_39, %dma_wait3A_96] : memref<2048x1024xf32, #tpu.memory_space<hbm>> -> memref<32x1024xf32, #tpu.memory_space<hbm>>
    tpu.wait_dma2 semaphore(%arg10 : memref<!tpu.dma_semaphore, #tpu.memory_space<semaphore_mem>>) src(%dma_wait3A_97 : memref<32x1024xf32, #tpu.memory_space<hbm>>) dst(%arg7 : memref<32x1024xf32, #tpu.memory_space<vmem>>)
    %parallel_loop3A = arith.constant 0 : i32
    %parallel_loop3A_98 = arith.constant 2048 : i32
    %parallel_loop3A_99 = arith.constant 1 : i32
    scf.for %parallel_loop3A_324 = %parallel_loop3A to %parallel_loop3A_98 step %parallel_loop3A_99  : i32 {
      %parallel_loop3A_325 = arith.constant 6 : i32
      %parallel_loop3A_326 = arith.shrui %parallel_loop3A_324, %parallel_loop3A_325 : i32
      %parallel_loop3A_327 = arith.constant 63 : i32
      %parallel_loop3A_328 = arith.andi %parallel_loop3A_324, %parallel_loop3A_327 : i32
      %parallel_loop3A_329 = arith.constant 16 : i32
      %parallel_loop3A_330 = arith.muli %parallel_loop3A_328, %parallel_loop3A_329 : i32
      %parallel_loop3A_331 = arith.index_cast %parallel_loop3A_326 : i32 to index
      %parallel_loop3A_332 = arith.index_cast %parallel_loop3A_330 : i32 to index
      %parallel_loop3A_333 = tpu.vector_load %arg7[%parallel_loop3A_331, %parallel_loop3A_332] {strides = array<i32>} : memref<32x1024xf32, #tpu.memory_space<vmem>>, vector<1x16xf32>,
      %parallel_loop3A_334 = vector.shape_cast %parallel_loop3A_333 : vector<1x16xf32> to vector<16xf32>
      %parallel_loop3A_335 = arith.index_cast %parallel_loop3A_326 : i32 to index
      %parallel_loop3A_336 = arith.index_cast %parallel_loop3A_330 : i32 to index
      %parallel_loop3A_337 = tpu.vector_load %arg8[%parallel_loop3A_335, %parallel_loop3A_336] {strides = array<i32>} : memref<32x1024xf32, #tpu.memory_space<vmem>>, vector<1x16xf32>,
      %parallel_loop3A_338 = vector.shape_cast %parallel_loop3A_337 : vector<1x16xf32> to vector<16xf32>
      %parallel_loop3A_339 = vector.shape_cast %parallel_loop3A_334 : vector<16xf32> to vector<1x16xf32>
      tpu.vector_store %arg8[%parallel_loop3A_335, %parallel_loop3A_336], %parallel_loop3A_339 {add = true, strides = array<i32>} : memref<32x1024xf32, #tpu.memory_space<vmem>>, vector<1x16xf32>,
    } {sc.loop_unroll_factor = 8 : i64, sc.parallel_access}
    %add3A_100 = arith.constant 0 : i32
    %add3A_101 = arith.addi %mul3A_2, %add3A_100 : i32
    %dma_start3A_102 = arith.constant 0 : i32
    %dma_start3A_103 = arith.constant 0 : i32
    %dma_start3A_104 = tpu.memref_slice %arg5[%dma_start3A_102, %add3A_101, %dma_start3A_103] : memref<4x2048x1024xf32, #tpu.memory_space<hbm>> -> memref<1x32x1024xf32, #tpu.memory_space<hbm>>
    %dma_start3A_105 = tpu.memref_squeeze %dma_start3A_104 : memref<1x32x1024xf32, #tpu.memory_space<hbm>> -> memref<32x1024xf32, #tpu.memory_space<hbm>>
    %dma_start3A_106 = arith.constant 0 : i32
    %dma_start3A_107 = tpu.memref_slice %arg5[%dma_start3A_102, %add3A_101, %dma_start3A_106] : memref<4x2048x1024xf32, #tpu.memory_space<hbm>> -> memref<1x32x1024xf32, #tpu.memory_space<hbm>>
    %dma_start3A_108 = tpu.memref_squeeze %dma_start3A_107 : memref<1x32x1024xf32, #tpu.memory_space<hbm>> -> memref<32x1024xf32, #tpu.memory_space<hbm>>
    tpu.enqueue_dma source(%arg8 : memref<32x1024xf32, #tpu.memory_space<vmem>>) target(%dma_start3A_108 : memref<32x1024xf32, #tpu.memory_space<hbm>>) target_semaphore(%arg14 : memref<!tpu.dma_semaphore, #tpu.memory_space<semaphore_mem>>)
    %dma_wait3A_109 = arith.constant 64 : i32
    %dma_wait3A_110 = tpu.memref_slice %arg6[%dma_wait3A_109] : memref<256xi32, #tpu.memory_space<vmem>> -> memref<32xi32, #tpu.memory_space<vmem>>
    %dma_wait3A_111 = arith.constant 0 : i32
    %dma_wait3A_112 = arith.constant 0 : i32
    %dma_wait3A_113 = tpu.memref_slice %arg4[%dma_wait3A_111, %dma_wait3A_112] : memref<100000x1024xf32, #tpu.memory_space<hbm>> -> memref<100000x1024xf32, #tpu.memory_space<hbm>>
    tpu.wait_indirect_dma semaphore(%arg13 : memref<!tpu.dma_semaphore, #tpu.memory_space<semaphore_mem>>) src(%dma_wait3A_113 : memref<100000x1024xf32, #tpu.memory_space<hbm>>) dst(%arg9 : memref<32x1024xf32, #tpu.memory_space<vmem>>)
    %dma_wait3A_114 = arith.constant 0 : i32
    %dma_wait3A_115 = arith.constant 0 : i32
    %dma_wait3A_116 = tpu.memref_slice %arg5[%dma_wait3A_114, %add3A_101, %dma_wait3A_115] : memref<4x2048x1024xf32, #tpu.memory_space<hbm>> -> memref<1x32x1024xf32, #tpu.memory_space<hbm>>
    %dma_wait3A_117 = tpu.memref_squeeze %dma_wait3A_116 : memref<1x32x1024xf32, #tpu.memory_space<hbm>> -> memref<32x1024xf32, #tpu.memory_space<hbm>>
    %dma_wait3A_118 = arith.constant 0 : i32
    %dma_wait3A_119 = tpu.memref_slice %arg5[%dma_wait3A_114, %add3A_101, %dma_wait3A_118] : memref<4x2048x1024xf32, #tpu.memory_space<hbm>> -> memref<1x32x1024xf32, #tpu.memory_space<hbm>>
    %dma_wait3A_120 = tpu.memref_squeeze %dma_wait3A_119 : memref<1x32x1024xf32, #tpu.memory_space<hbm>> -> memref<32x1024xf32, #tpu.memory_space<hbm>>
    tpu.wait_dma2 semaphore(%arg14 : memref<!tpu.dma_semaphore, #tpu.memory_space<semaphore_mem>>) src(%arg8 : memref<32x1024xf32, #tpu.memory_space<vmem>>) dst(%dma_wait3A_120 : memref<32x1024xf32, #tpu.memory_space<hbm>>)
    %dma_start3A_121 = arith.constant 128 : i32
    %dma_start3A_122 = tpu.memref_slice %arg6[%dma_start3A_121] : memref<256xi32, #tpu.memory_space<vmem>> -> memref<32xi32, #tpu.memory_space<vmem>>
    %dma_start3A_123 = arith.constant 0 : i32
    %dma_start3A_124 = arith.constant 0 : i32
    %dma_start3A_125 = tpu.memref_slice %arg4[%dma_start3A_123, %dma_start3A_124] : memref<100000x1024xf32, #tpu.memory_space<hbm>> -> memref<100000x1024xf32, #tpu.memory_space<hbm>>
    tpu.enqueue_indirect_dma source(%dma_start3A_125 : memref<100000x1024xf32, #tpu.memory_space<hbm>>) target(%arg8 : memref<32x1024xf32, #tpu.memory_space<vmem>>) offsets(%dma_start3A_122 : memref<32xi32, #tpu.memory_space<vmem>>) semaphore(%arg12 : memref<!tpu.dma_semaphore, #tpu.memory_space<semaphore_mem>>)
    %parallel_loop3A_126 = arith.constant 0 : i32
    %parallel_loop3A_127 = arith.constant 2048 : i32
    %parallel_loop3A_128 = arith.constant 1 : i32
    scf.for %parallel_loop3A_324 = %parallel_loop3A_126 to %parallel_loop3A_127 step %parallel_loop3A_128  : i32 {
      %parallel_loop3A_325 = arith.constant 6 : i32
      %parallel_loop3A_326 = arith.shrui %parallel_loop3A_324, %parallel_loop3A_325 : i32
      %parallel_loop3A_327 = arith.constant 63 : i32
      %parallel_loop3A_328 = arith.andi %parallel_loop3A_324, %parallel_loop3A_327 : i32
      %parallel_loop3A_329 = arith.constant 16 : i32
      %parallel_loop3A_330 = arith.muli %parallel_loop3A_328, %parallel_loop3A_329 : i32
      %parallel_loop3A_331 = arith.index_cast %parallel_loop3A_326 : i32 to index
      %parallel_loop3A_332 = arith.index_cast %parallel_loop3A_330 : i32 to index
      %parallel_loop3A_333 = tpu.vector_load %arg7[%parallel_loop3A_331, %parallel_loop3A_332] {strides = array<i32>} : memref<32x1024xf32, #tpu.memory_space<vmem>>, vector<1x16xf32>,
      %parallel_loop3A_334 = vector.shape_cast %parallel_loop3A_333 : vector<1x16xf32> to vector<16xf32>
      %parallel_loop3A_335 = arith.index_cast %parallel_loop3A_326 : i32 to index
      %parallel_loop3A_336 = arith.index_cast %parallel_loop3A_330 : i32 to index
      %parallel_loop3A_337 = tpu.vector_load %arg9[%parallel_loop3A_335, %parallel_loop3A_336] {strides = array<i32>} : memref<32x1024xf32, #tpu.memory_space<vmem>>, vector<1x16xf32>,
      %parallel_loop3A_338 = vector.shape_cast %parallel_loop3A_337 : vector<1x16xf32> to vector<16xf32>
      %parallel_loop3A_339 = vector.shape_cast %parallel_loop3A_334 : vector<16xf32> to vector<1x16xf32>
      tpu.vector_store %arg9[%parallel_loop3A_335, %parallel_loop3A_336], %parallel_loop3A_339 {add = true, strides = array<i32>} : memref<32x1024xf32, #tpu.memory_space<vmem>>, vector<1x16xf32>,
    } {sc.loop_unroll_factor = 8 : i64, sc.parallel_access}
    %add3A_129 = arith.constant 0 : i32
    %add3A_130 = arith.addi %mul3A_2, %add3A_129 : i32
    %dma_start3A_131 = arith.constant 1 : i32
    %dma_start3A_132 = arith.constant 0 : i32
    %dma_start3A_133 = tpu.memref_slice %arg5[%dma_start3A_131, %add3A_130, %dma_start3A_132] : memref<4x2048x1024xf32, #tpu.memory_space<hbm>> -> memref<1x32x1024xf32, #tpu.memory_space<hbm>>
    %dma_start3A_134 = tpu.memref_squeeze %dma_start3A_133 : memref<1x32x1024xf32, #tpu.memory_space<hbm>> -> memref<32x1024xf32, #tpu.memory_space<hbm>>
    %dma_start3A_135 = arith.constant 0 : i32
    %dma_start3A_136 = tpu.memref_slice %arg5[%dma_start3A_131, %add3A_130, %dma_start3A_135] : memref<4x2048x1024xf32, #tpu.memory_space<hbm>> -> memref<1x32x1024xf32, #tpu.memory_space<hbm>>
    %dma_start3A_137 = tpu.memref_squeeze %dma_start3A_136 : memref<1x32x1024xf32, #tpu.memory_space<hbm>> -> memref<32x1024xf32, #tpu.memory_space<hbm>>
    tpu.enqueue_dma source(%arg9 : memref<32x1024xf32, #tpu.memory_space<vmem>>) target(%dma_start3A_137 : memref<32x1024xf32, #tpu.memory_space<hbm>>) target_semaphore(%arg15 : memref<!tpu.dma_semaphore, #tpu.memory_space<semaphore_mem>>)
    %dma_wait3A_138 = arith.constant 128 : i32
    %dma_wait3A_139 = tpu.memref_slice %arg6[%dma_wait3A_138] : memref<256xi32, #tpu.memory_space<vmem>> -> memref<32xi32, #tpu.memory_space<vmem>>
    %dma_wait3A_140 = arith.constant 0 : i32
    %dma_wait3A_141 = arith.constant 0 : i32
    %dma_wait3A_142 = tpu.memref_slice %arg4[%dma_wait3A_140, %dma_wait3A_141] : memref<100000x1024xf32, #tpu.memory_space<hbm>> -> memref<100000x1024xf32, #tpu.memory_space<hbm>>
    tpu.wait_indirect_dma semaphore(%arg12 : memref<!tpu.dma_semaphore, #tpu.memory_space<semaphore_mem>>) src(%dma_wait3A_142 : memref<100000x1024xf32, #tpu.memory_space<hbm>>) dst(%arg8 : memref<32x1024xf32, #tpu.memory_space<vmem>>)
    %dma_wait3A_143 = arith.constant 1 : i32
    %dma_wait3A_144 = arith.constant 0 : i32
    %dma_wait3A_145 = tpu.memref_slice %arg5[%dma_wait3A_143, %add3A_130, %dma_wait3A_144] : memref<4x2048x1024xf32, #tpu.memory_space<hbm>> -> memref<1x32x1024xf32, #tpu.memory_space<hbm>>
    %dma_wait3A_146 = tpu.memref_squeeze %dma_wait3A_145 : memref<1x32x1024xf32, #tpu.memory_space<hbm>> -> memref<32x1024xf32, #tpu.memory_space<hbm>>
    %dma_wait3A_147 = arith.constant 0 : i32
    %dma_wait3A_148 = tpu.memref_slice %arg5[%dma_wait3A_143, %add3A_130, %dma_wait3A_147] : memref<4x2048x1024xf32, #tpu.memory_space<hbm>> -> memref<1x32x1024xf32, #tpu.memory_space<hbm>>
    %dma_wait3A_149 = tpu.memref_squeeze %dma_wait3A_148 : memref<1x32x1024xf32, #tpu.memory_space<hbm>> -> memref<32x1024xf32, #tpu.memory_space<hbm>>
    tpu.wait_dma2 semaphore(%arg15 : memref<!tpu.dma_semaphore, #tpu.memory_space<semaphore_mem>>) src(%arg9 : memref<32x1024xf32, #tpu.memory_space<vmem>>) dst(%dma_wait3A_149 : memref<32x1024xf32, #tpu.memory_space<hbm>>)
    %dma_start3A_150 = arith.constant 192 : i32
    %dma_start3A_151 = tpu.memref_slice %arg6[%dma_start3A_150] : memref<256xi32, #tpu.memory_space<vmem>> -> memref<32xi32, #tpu.memory_space<vmem>>
    %dma_start3A_152 = arith.constant 0 : i32
    %dma_start3A_153 = arith.constant 0 : i32
    %dma_start3A_154 = tpu.memref_slice %arg4[%dma_start3A_152, %dma_start3A_153] : memref<100000x1024xf32, #tpu.memory_space<hbm>> -> memref<100000x1024xf32, #tpu.memory_space<hbm>>
    tpu.enqueue_indirect_dma source(%dma_start3A_154 : memref<100000x1024xf32, #tpu.memory_space<hbm>>) target(%arg9 : memref<32x1024xf32, #tpu.memory_space<vmem>>) offsets(%dma_start3A_151 : memref<32xi32, #tpu.memory_space<vmem>>) semaphore(%arg13 : memref<!tpu.dma_semaphore, #tpu.memory_space<semaphore_mem>>)
    %parallel_loop3A_155 = arith.constant 0 : i32
    %parallel_loop3A_156 = arith.constant 2048 : i32
    %parallel_loop3A_157 = arith.constant 1 : i32
    scf.for %parallel_loop3A_324 = %parallel_loop3A_155 to %parallel_loop3A_156 step %parallel_loop3A_157  : i32 {
      %parallel_loop3A_325 = arith.constant 6 : i32
      %parallel_loop3A_326 = arith.shrui %parallel_loop3A_324, %parallel_loop3A_325 : i32
      %parallel_loop3A_327 = arith.constant 63 : i32
      %parallel_loop3A_328 = arith.andi %parallel_loop3A_324, %parallel_loop3A_327 : i32
      %parallel_loop3A_329 = arith.constant 16 : i32
      %parallel_loop3A_330 = arith.muli %parallel_loop3A_328, %parallel_loop3A_329 : i32
      %parallel_loop3A_331 = arith.index_cast %parallel_loop3A_326 : i32 to index
      %parallel_loop3A_332 = arith.index_cast %parallel_loop3A_330 : i32 to index
      %parallel_loop3A_333 = tpu.vector_load %arg7[%parallel_loop3A_331, %parallel_loop3A_332] {strides = array<i32>} : memref<32x1024xf32, #tpu.memory_space<vmem>>, vector<1x16xf32>,
      %parallel_loop3A_334 = vector.shape_cast %parallel_loop3A_333 : vector<1x16xf32> to vector<16xf32>
      %parallel_loop3A_335 = arith.index_cast %parallel_loop3A_326 : i32 to index
      %parallel_loop3A_336 = arith.index_cast %parallel_loop3A_330 : i32 to index
      %parallel_loop3A_337 = tpu.vector_load %arg8[%parallel_loop3A_335, %parallel_loop3A_336] {strides = array<i32>} : memref<32x1024xf32, #tpu.memory_space<vmem>>, vector<1x16xf32>,
      %parallel_loop3A_338 = vector.shape_cast %parallel_loop3A_337 : vector<1x16xf32> to vector<16xf32>
      %parallel_loop3A_339 = vector.shape_cast %parallel_loop3A_334 : vector<16xf32> to vector<1x16xf32>
      tpu.vector_store %arg8[%parallel_loop3A_335, %parallel_loop3A_336], %parallel_loop3A_339 {add = true, strides = array<i32>} : memref<32x1024xf32, #tpu.memory_space<vmem>>, vector<1x16xf32>,
    } {sc.loop_unroll_factor = 8 : i64, sc.parallel_access}
    %add3A_158 = arith.constant 0 : i32
    %add3A_159 = arith.addi %mul3A_2, %add3A_158 : i32
    %dma_start3A_160 = arith.constant 2 : i32
    %dma_start3A_161 = arith.constant 0 : i32
    %dma_start3A_162 = tpu.memref_slice %arg5[%dma_start3A_160, %add3A_159, %dma_start3A_161] : memref<4x2048x1024xf32, #tpu.memory_space<hbm>> -> memref<1x32x1024xf32, #tpu.memory_space<hbm>>
    %dma_start3A_163 = tpu.memref_squeeze %dma_start3A_162 : memref<1x32x1024xf32, #tpu.memory_space<hbm>> -> memref<32x1024xf32, #tpu.memory_space<hbm>>
    %dma_start3A_164 = arith.constant 0 : i32
    %dma_start3A_165 = tpu.memref_slice %arg5[%dma_start3A_160, %add3A_159, %dma_start3A_164] : memref<4x2048x1024xf32, #tpu.memory_space<hbm>> -> memref<1x32x1024xf32, #tpu.memory_space<hbm>>
    %dma_start3A_166 = tpu.memref_squeeze %dma_start3A_165 : memref<1x32x1024xf32, #tpu.memory_space<hbm>> -> memref<32x1024xf32, #tpu.memory_space<hbm>>
    tpu.enqueue_dma source(%arg8 : memref<32x1024xf32, #tpu.memory_space<vmem>>) target(%dma_start3A_166 : memref<32x1024xf32, #tpu.memory_space<hbm>>) target_semaphore(%arg14 : memref<!tpu.dma_semaphore, #tpu.memory_space<semaphore_mem>>)
    %dma_wait3A_167 = arith.constant 192 : i32
    %dma_wait3A_168 = tpu.memref_slice %arg6[%dma_wait3A_167] : memref<256xi32, #tpu.memory_space<vmem>> -> memref<32xi32, #tpu.memory_space<vmem>>
    %dma_wait3A_169 = arith.constant 0 : i32
    %dma_wait3A_170 = arith.constant 0 : i32
    %dma_wait3A_171 = tpu.memref_slice %arg4[%dma_wait3A_169, %dma_wait3A_170] : memref<100000x1024xf32, #tpu.memory_space<hbm>> -> memref<100000x1024xf32, #tpu.memory_space<hbm>>
    tpu.wait_indirect_dma semaphore(%arg13 : memref<!tpu.dma_semaphore, #tpu.memory_space<semaphore_mem>>) src(%dma_wait3A_171 : memref<100000x1024xf32, #tpu.memory_space<hbm>>) dst(%arg9 : memref<32x1024xf32, #tpu.memory_space<vmem>>)
    %dma_wait3A_172 = arith.constant 2 : i32
    %dma_wait3A_173 = arith.constant 0 : i32
    %dma_wait3A_174 = tpu.memref_slice %arg5[%dma_wait3A_172, %add3A_159, %dma_wait3A_173] : memref<4x2048x1024xf32, #tpu.memory_space<hbm>> -> memref<1x32x1024xf32, #tpu.memory_space<hbm>>
    %dma_wait3A_175 = tpu.memref_squeeze %dma_wait3A_174 : memref<1x32x1024xf32, #tpu.memory_space<hbm>> -> memref<32x1024xf32, #tpu.memory_space<hbm>>
    %dma_wait3A_176 = arith.constant 0 : i32
    %dma_wait3A_177 = tpu.memref_slice %arg5[%dma_wait3A_172, %add3A_159, %dma_wait3A_176] : memref<4x2048x1024xf32, #tpu.memory_space<hbm>> -> memref<1x32x1024xf32, #tpu.memory_space<hbm>>
    %dma_wait3A_178 = tpu.memref_squeeze %dma_wait3A_177 : memref<1x32x1024xf32, #tpu.memory_space<hbm>> -> memref<32x1024xf32, #tpu.memory_space<hbm>>
    tpu.wait_dma2 semaphore(%arg14 : memref<!tpu.dma_semaphore, #tpu.memory_space<semaphore_mem>>) src(%arg8 : memref<32x1024xf32, #tpu.memory_space<vmem>>) dst(%dma_wait3A_178 : memref<32x1024xf32, #tpu.memory_space<hbm>>)
    %dma_start3A_179 = arith.constant 32 : i32
    %dma_start3A_180 = tpu.memref_slice %arg6[%dma_start3A_179] : memref<256xi32, #tpu.memory_space<vmem>> -> memref<32xi32, #tpu.memory_space<vmem>>
    %dma_start3A_181 = arith.constant 0 : i32
    %dma_start3A_182 = arith.constant 0 : i32
    %dma_start3A_183 = tpu.memref_slice %arg4[%dma_start3A_181, %dma_start3A_182] : memref<100000x1024xf32, #tpu.memory_space<hbm>> -> memref<100000x1024xf32, #tpu.memory_space<hbm>>
    tpu.enqueue_indirect_dma source(%dma_start3A_183 : memref<100000x1024xf32, #tpu.memory_space<hbm>>) target(%arg8 : memref<32x1024xf32, #tpu.memory_space<vmem>>) offsets(%dma_start3A_180 : memref<32xi32, #tpu.memory_space<vmem>>) semaphore(%arg12 : memref<!tpu.dma_semaphore, #tpu.memory_space<semaphore_mem>>)
    %parallel_loop3A_184 = arith.constant 0 : i32
    %parallel_loop3A_185 = arith.constant 2048 : i32
    %parallel_loop3A_186 = arith.constant 1 : i32
    scf.for %parallel_loop3A_324 = %parallel_loop3A_184 to %parallel_loop3A_185 step %parallel_loop3A_186  : i32 {
      %parallel_loop3A_325 = arith.constant 6 : i32
      %parallel_loop3A_326 = arith.shrui %parallel_loop3A_324, %parallel_loop3A_325 : i32
      %parallel_loop3A_327 = arith.constant 63 : i32
      %parallel_loop3A_328 = arith.andi %parallel_loop3A_324, %parallel_loop3A_327 : i32
      %parallel_loop3A_329 = arith.constant 16 : i32
      %parallel_loop3A_330 = arith.muli %parallel_loop3A_328, %parallel_loop3A_329 : i32
      %parallel_loop3A_331 = arith.index_cast %parallel_loop3A_326 : i32 to index
      %parallel_loop3A_332 = arith.index_cast %parallel_loop3A_330 : i32 to index
      %parallel_loop3A_333 = tpu.vector_load %arg7[%parallel_loop3A_331, %parallel_loop3A_332] {strides = array<i32>} : memref<32x1024xf32, #tpu.memory_space<vmem>>, vector<1x16xf32>,
      %parallel_loop3A_334 = vector.shape_cast %parallel_loop3A_333 : vector<1x16xf32> to vector<16xf32>
      %parallel_loop3A_335 = arith.index_cast %parallel_loop3A_326 : i32 to index
      %parallel_loop3A_336 = arith.index_cast %parallel_loop3A_330 : i32 to index
      %parallel_loop3A_337 = tpu.vector_load %arg9[%parallel_loop3A_335, %parallel_loop3A_336] {strides = array<i32>} : memref<32x1024xf32, #tpu.memory_space<vmem>>, vector<1x16xf32>,
      %parallel_loop3A_338 = vector.shape_cast %parallel_loop3A_337 : vector<1x16xf32> to vector<16xf32>
      %parallel_loop3A_339 = vector.shape_cast %parallel_loop3A_334 : vector<16xf32> to vector<1x16xf32>
      tpu.vector_store %arg9[%parallel_loop3A_335, %parallel_loop3A_336], %parallel_loop3A_339 {add = true, strides = array<i32>} : memref<32x1024xf32, #tpu.memory_space<vmem>>, vector<1x16xf32>,
    } {sc.loop_unroll_factor = 8 : i64, sc.parallel_access}
    %add3A_187 = arith.constant 32 : i32
    %add3A_188 = arith.addi %mul3A_2, %add3A_187 : i32
    %dma_start3A_189 = arith.constant 0 : i32
    %dma_start3A_190 = tpu.memref_slice %arg3[%add3A_188, %dma_start3A_189] : memref<2048x1024xf32, #tpu.memory_space<hbm>> -> memref<32x1024xf32, #tpu.memory_space<hbm>>
    %dma_start3A_191 = arith.constant 0 : i32
    %dma_start3A_192 = tpu.memref_slice %arg3[%add3A_188, %dma_start3A_191] : memref<2048x1024xf32, #tpu.memory_space<hbm>> -> memref<32x1024xf32, #tpu.memory_space<hbm>>
    tpu.enqueue_dma source(%dma_start3A_192 : memref<32x1024xf32, #tpu.memory_space<hbm>>) target(%arg7 : memref<32x1024xf32, #tpu.memory_space<vmem>>) target_semaphore(%arg10 : memref<!tpu.dma_semaphore, #tpu.memory_space<semaphore_mem>>)
    %add3A_193 = arith.constant 0 : i32
    %add3A_194 = arith.addi %mul3A_2, %add3A_193 : i32
    %dma_start3A_195 = arith.constant 3 : i32
    %dma_start3A_196 = arith.constant 0 : i32
    %dma_start3A_197 = tpu.memref_slice %arg5[%dma_start3A_195, %add3A_194, %dma_start3A_196] : memref<4x2048x1024xf32, #tpu.memory_space<hbm>> -> memref<1x32x1024xf32, #tpu.memory_space<hbm>>
    %dma_start3A_198 = tpu.memref_squeeze %dma_start3A_197 : memref<1x32x1024xf32, #tpu.memory_space<hbm>> -> memref<32x1024xf32, #tpu.memory_space<hbm>>
    %dma_start3A_199 = arith.constant 0 : i32
    %dma_start3A_200 = tpu.memref_slice %arg5[%dma_start3A_195, %add3A_194, %dma_start3A_199] : memref<4x2048x1024xf32, #tpu.memory_space<hbm>> -> memref<1x32x1024xf32, #tpu.memory_space<hbm>>
    %dma_start3A_201 = tpu.memref_squeeze %dma_start3A_200 : memref<1x32x1024xf32, #tpu.memory_space<hbm>> -> memref<32x1024xf32, #tpu.memory_space<hbm>>
    tpu.enqueue_dma source(%arg9 : memref<32x1024xf32, #tpu.memory_space<vmem>>) target(%dma_start3A_201 : memref<32x1024xf32, #tpu.memory_space<hbm>>) target_semaphore(%arg15 : memref<!tpu.dma_semaphore, #tpu.memory_space<semaphore_mem>>)
    %dma_wait3A_202 = arith.constant 32 : i32
    %dma_wait3A_203 = tpu.memref_slice %arg6[%dma_wait3A_202] : memref<256xi32, #tpu.memory_space<vmem>> -> memref<32xi32, #tpu.memory_space<vmem>>
    %dma_wait3A_204 = arith.constant 0 : i32
    %dma_wait3A_205 = arith.constant 0 : i32
    %dma_wait3A_206 = tpu.memref_slice %arg4[%dma_wait3A_204, %dma_wait3A_205] : memref<100000x1024xf32, #tpu.memory_space<hbm>> -> memref<100000x1024xf32, #tpu.memory_space<hbm>>
    tpu.wait_indirect_dma semaphore(%arg12 : memref<!tpu.dma_semaphore, #tpu.memory_space<semaphore_mem>>) src(%dma_wait3A_206 : memref<100000x1024xf32, #tpu.memory_space<hbm>>) dst(%arg8 : memref<32x1024xf32, #tpu.memory_space<vmem>>)
    %dma_wait3A_207 = arith.constant 3 : i32
    %dma_wait3A_208 = arith.constant 0 : i32
    %dma_wait3A_209 = tpu.memref_slice %arg5[%dma_wait3A_207, %add3A_194, %dma_wait3A_208] : memref<4x2048x1024xf32, #tpu.memory_space<hbm>> -> memref<1x32x1024xf32, #tpu.memory_space<hbm>>
    %dma_wait3A_210 = tpu.memref_squeeze %dma_wait3A_209 : memref<1x32x1024xf32, #tpu.memory_space<hbm>> -> memref<32x1024xf32, #tpu.memory_space<hbm>>
    %dma_wait3A_211 = arith.constant 0 : i32
    %dma_wait3A_212 = tpu.memref_slice %arg5[%dma_wait3A_207, %add3A_194, %dma_wait3A_211] : memref<4x2048x1024xf32, #tpu.memory_space<hbm>> -> memref<1x32x1024xf32, #tpu.memory_space<hbm>>
    %dma_wait3A_213 = tpu.memref_squeeze %dma_wait3A_212 : memref<1x32x1024xf32, #tpu.memory_space<hbm>> -> memref<32x1024xf32, #tpu.memory_space<hbm>>
    tpu.wait_dma2 semaphore(%arg15 : memref<!tpu.dma_semaphore, #tpu.memory_space<semaphore_mem>>) src(%arg9 : memref<32x1024xf32, #tpu.memory_space<vmem>>) dst(%dma_wait3A_213 : memref<32x1024xf32, #tpu.memory_space<hbm>>)
    %dma_start3A_214 = arith.constant 96 : i32
    %dma_start3A_215 = tpu.memref_slice %arg6[%dma_start3A_214] : memref<256xi32, #tpu.memory_space<vmem>> -> memref<32xi32, #tpu.memory_space<vmem>>
    %dma_start3A_216 = arith.constant 0 : i32
    %dma_start3A_217 = arith.constant 0 : i32
    %dma_start3A_218 = tpu.memref_slice %arg4[%dma_start3A_216, %dma_start3A_217] : memref<100000x1024xf32, #tpu.memory_space<hbm>> -> memref<100000x1024xf32, #tpu.memory_space<hbm>>
    tpu.enqueue_indirect_dma source(%dma_start3A_218 : memref<100000x1024xf32, #tpu.memory_space<hbm>>) target(%arg9 : memref<32x1024xf32, #tpu.memory_space<vmem>>) offsets(%dma_start3A_215 : memref<32xi32, #tpu.memory_space<vmem>>) semaphore(%arg13 : memref<!tpu.dma_semaphore, #tpu.memory_space<semaphore_mem>>)
    %dma_wait3A_219 = arith.constant 0 : i32
    %dma_wait3A_220 = tpu.memref_slice %arg3[%add3A_188, %dma_wait3A_219] : memref<2048x1024xf32, #tpu.memory_space<hbm>> -> memref<32x1024xf32, #tpu.memory_space<hbm>>
    %dma_wait3A_221 = arith.constant 0 : i32
    %dma_wait3A_222 = tpu.memref_slice %arg3[%add3A_188, %dma_wait3A_221] : memref<2048x1024xf32, #tpu.memory_space<hbm>> -> memref<32x1024xf32, #tpu.memory_space<hbm>>
    tpu.wait_dma2 semaphore(%arg10 : memref<!tpu.dma_semaphore, #tpu.memory_space<semaphore_mem>>) src(%dma_wait3A_222 : memref<32x1024xf32, #tpu.memory_space<hbm>>) dst(%arg7 : memref<32x1024xf32, #tpu.memory_space<vmem>>)
    %parallel_loop3A_223 = arith.constant 0 : i32
    %parallel_loop3A_224 = arith.constant 2048 : i32
    %parallel_loop3A_225 = arith.constant 1 : i32
    scf.for %parallel_loop3A_324 = %parallel_loop3A_223 to %parallel_loop3A_224 step %parallel_loop3A_225  : i32 {
      %parallel_loop3A_325 = arith.constant 6 : i32
      %parallel_loop3A_326 = arith.shrui %parallel_loop3A_324, %parallel_loop3A_325 : i32
      %parallel_loop3A_327 = arith.constant 63 : i32
      %parallel_loop3A_328 = arith.andi %parallel_loop3A_324, %parallel_loop3A_327 : i32
      %parallel_loop3A_329 = arith.constant 16 : i32
      %parallel_loop3A_330 = arith.muli %parallel_loop3A_328, %parallel_loop3A_329 : i32
      %parallel_loop3A_331 = arith.index_cast %parallel_loop3A_326 : i32 to index
      %parallel_loop3A_332 = arith.index_cast %parallel_loop3A_330 : i32 to index
      %parallel_loop3A_333 = tpu.vector_load %arg7[%parallel_loop3A_331, %parallel_loop3A_332] {strides = array<i32>} : memref<32x1024xf32, #tpu.memory_space<vmem>>, vector<1x16xf32>,
      %parallel_loop3A_334 = vector.shape_cast %parallel_loop3A_333 : vector<1x16xf32> to vector<16xf32>
      %parallel_loop3A_335 = arith.index_cast %parallel_loop3A_326 : i32 to index
      %parallel_loop3A_336 = arith.index_cast %parallel_loop3A_330 : i32 to index
      %parallel_loop3A_337 = tpu.vector_load %arg8[%parallel_loop3A_335, %parallel_loop3A_336] {strides = array<i32>} : memref<32x1024xf32, #tpu.memory_space<vmem>>, vector<1x16xf32>,
      %parallel_loop3A_338 = vector.shape_cast %parallel_loop3A_337 : vector<1x16xf32> to vector<16xf32>
      %parallel_loop3A_339 = vector.shape_cast %parallel_loop3A_334 : vector<16xf32> to vector<1x16xf32>
      tpu.vector_store %arg8[%parallel_loop3A_335, %parallel_loop3A_336], %parallel_loop3A_339 {add = true, strides = array<i32>} : memref<32x1024xf32, #tpu.memory_space<vmem>>, vector<1x16xf32>,
    } {sc.loop_unroll_factor = 8 : i64, sc.parallel_access}
    %add3A_226 = arith.constant 32 : i32
    %add3A_227 = arith.addi %mul3A_2, %add3A_226 : i32
    %dma_start3A_228 = arith.constant 0 : i32
    %dma_start3A_229 = arith.constant 0 : i32
    %dma_start3A_230 = tpu.memref_slice %arg5[%dma_start3A_228, %add3A_227, %dma_start3A_229] : memref<4x2048x1024xf32, #tpu.memory_space<hbm>> -> memref<1x32x1024xf32, #tpu.memory_space<hbm>>
    %dma_start3A_231 = tpu.memref_squeeze %dma_start3A_230 : memref<1x32x1024xf32, #tpu.memory_space<hbm>> -> memref<32x1024xf32, #tpu.memory_space<hbm>>
    %dma_start3A_232 = arith.constant 0 : i32
    %dma_start3A_233 = tpu.memref_slice %arg5[%dma_start3A_228, %add3A_227, %dma_start3A_232] : memref<4x2048x1024xf32, #tpu.memory_space<hbm>> -> memref<1x32x1024xf32, #tpu.memory_space<hbm>>
    %dma_start3A_234 = tpu.memref_squeeze %dma_start3A_233 : memref<1x32x1024xf32, #tpu.memory_space<hbm>> -> memref<32x1024xf32, #tpu.memory_space<hbm>>
    tpu.enqueue_dma source(%arg8 : memref<32x1024xf32, #tpu.memory_space<vmem>>) target(%dma_start3A_234 : memref<32x1024xf32, #tpu.memory_space<hbm>>) target_semaphore(%arg14 : memref<!tpu.dma_semaphore, #tpu.memory_space<semaphore_mem>>)
    %dma_wait3A_235 = arith.constant 96 : i32
    %dma_wait3A_236 = tpu.memref_slice %arg6[%dma_wait3A_235] : memref<256xi32, #tpu.memory_space<vmem>> -> memref<32xi32, #tpu.memory_space<vmem>>
    %dma_wait3A_237 = arith.constant 0 : i32
    %dma_wait3A_238 = arith.constant 0 : i32
    %dma_wait3A_239 = tpu.memref_slice %arg4[%dma_wait3A_237, %dma_wait3A_238] : memref<100000x1024xf32, #tpu.memory_space<hbm>> -> memref<100000x1024xf32, #tpu.memory_space<hbm>>
    tpu.wait_indirect_dma semaphore(%arg13 : memref<!tpu.dma_semaphore, #tpu.memory_space<semaphore_mem>>) src(%dma_wait3A_239 : memref<100000x1024xf32, #tpu.memory_space<hbm>>) dst(%arg9 : memref<32x1024xf32, #tpu.memory_space<vmem>>)
    %dma_wait3A_240 = arith.constant 0 : i32
    %dma_wait3A_241 = arith.constant 0 : i32
    %dma_wait3A_242 = tpu.memref_slice %arg5[%dma_wait3A_240, %add3A_227, %dma_wait3A_241] : memref<4x2048x1024xf32, #tpu.memory_space<hbm>> -> memref<1x32x1024xf32, #tpu.memory_space<hbm>>
    %dma_wait3A_243 = tpu.memref_squeeze %dma_wait3A_242 : memref<1x32x1024xf32, #tpu.memory_space<hbm>> -> memref<32x1024xf32, #tpu.memory_space<hbm>>
    %dma_wait3A_244 = arith.constant 0 : i32
    %dma_wait3A_245 = tpu.memref_slice %arg5[%dma_wait3A_240, %add3A_227, %dma_wait3A_244] : memref<4x2048x1024xf32, #tpu.memory_space<hbm>> -> memref<1x32x1024xf32, #tpu.memory_space<hbm>>
    %dma_wait3A_246 = tpu.memref_squeeze %dma_wait3A_245 : memref<1x32x1024xf32, #tpu.memory_space<hbm>> -> memref<32x1024xf32, #tpu.memory_space<hbm>>
    tpu.wait_dma2 semaphore(%arg14 : memref<!tpu.dma_semaphore, #tpu.memory_space<semaphore_mem>>) src(%arg8 : memref<32x1024xf32, #tpu.memory_space<vmem>>) dst(%dma_wait3A_246 : memref<32x1024xf32, #tpu.memory_space<hbm>>)
    %dma_start3A_247 = arith.constant 160 : i32
    %dma_start3A_248 = tpu.memref_slice %arg6[%dma_start3A_247] : memref<256xi32, #tpu.memory_space<vmem>> -> memref<32xi32, #tpu.memory_space<vmem>>
    %dma_start3A_249 = arith.constant 0 : i32
    %dma_start3A_250 = arith.constant 0 : i32
    %dma_start3A_251 = tpu.memref_slice %arg4[%dma_start3A_249, %dma_start3A_250] : memref<100000x1024xf32, #tpu.memory_space<hbm>> -> memref<100000x1024xf32, #tpu.memory_space<hbm>>
    tpu.enqueue_indirect_dma source(%dma_start3A_251 : memref<100000x1024xf32, #tpu.memory_space<hbm>>) target(%arg8 : memref<32x1024xf32, #tpu.memory_space<vmem>>) offsets(%dma_start3A_248 : memref<32xi32, #tpu.memory_space<vmem>>) semaphore(%arg12 : memref<!tpu.dma_semaphore, #tpu.memory_space<semaphore_mem>>)
    %parallel_loop3A_252 = arith.constant 0 : i32
    %parallel_loop3A_253 = arith.constant 2048 : i32
    %parallel_loop3A_254 = arith.constant 1 : i32
    scf.for %parallel_loop3A_324 = %parallel_loop3A_252 to %parallel_loop3A_253 step %parallel_loop3A_254  : i32 {
      %parallel_loop3A_325 = arith.constant 6 : i32
      %parallel_loop3A_326 = arith.shrui %parallel_loop3A_324, %parallel_loop3A_325 : i32
      %parallel_loop3A_327 = arith.constant 63 : i32
      %parallel_loop3A_328 = arith.andi %parallel_loop3A_324, %parallel_loop3A_327 : i32
      %parallel_loop3A_329 = arith.constant 16 : i32
      %parallel_loop3A_330 = arith.muli %parallel_loop3A_328, %parallel_loop3A_329 : i32
      %parallel_loop3A_331 = arith.index_cast %parallel_loop3A_326 : i32 to index
      %parallel_loop3A_332 = arith.index_cast %parallel_loop3A_330 : i32 to index
      %parallel_loop3A_333 = tpu.vector_load %arg7[%parallel_loop3A_331, %parallel_loop3A_332] {strides = array<i32>} : memref<32x1024xf32, #tpu.memory_space<vmem>>, vector<1x16xf32>,
      %parallel_loop3A_334 = vector.shape_cast %parallel_loop3A_333 : vector<1x16xf32> to vector<16xf32>
      %parallel_loop3A_335 = arith.index_cast %parallel_loop3A_326 : i32 to index
      %parallel_loop3A_336 = arith.index_cast %parallel_loop3A_330 : i32 to index
      %parallel_loop3A_337 = tpu.vector_load %arg9[%parallel_loop3A_335, %parallel_loop3A_336] {strides = array<i32>} : memref<32x1024xf32, #tpu.memory_space<vmem>>, vector<1x16xf32>,
      %parallel_loop3A_338 = vector.shape_cast %parallel_loop3A_337 : vector<1x16xf32> to vector<16xf32>
      %parallel_loop3A_339 = vector.shape_cast %parallel_loop3A_334 : vector<16xf32> to vector<1x16xf32>
      tpu.vector_store %arg9[%parallel_loop3A_335, %parallel_loop3A_336], %parallel_loop3A_339 {add = true, strides = array<i32>} : memref<32x1024xf32, #tpu.memory_space<vmem>>, vector<1x16xf32>,
    } {sc.loop_unroll_factor = 8 : i64, sc.parallel_access}
    %add3A_255 = arith.constant 32 : i32
    %add3A_256 = arith.addi %mul3A_2, %add3A_255 : i32
    %dma_start3A_257 = arith.constant 1 : i32
    %dma_start3A_258 = arith.constant 0 : i32
    %dma_start3A_259 = tpu.memref_slice %arg5[%dma_start3A_257, %add3A_256, %dma_start3A_258] : memref<4x2048x1024xf32, #tpu.memory_space<hbm>> -> memref<1x32x1024xf32, #tpu.memory_space<hbm>>
    %dma_start3A_260 = tpu.memref_squeeze %dma_start3A_259 : memref<1x32x1024xf32, #tpu.memory_space<hbm>> -> memref<32x1024xf32, #tpu.memory_space<hbm>>
    %dma_start3A_261 = arith.constant 0 : i32
    %dma_start3A_262 = tpu.memref_slice %arg5[%dma_start3A_257, %add3A_256, %dma_start3A_261] : memref<4x2048x1024xf32, #tpu.memory_space<hbm>> -> memref<1x32x1024xf32, #tpu.memory_space<hbm>>
    %dma_start3A_263 = tpu.memref_squeeze %dma_start3A_262 : memref<1x32x1024xf32, #tpu.memory_space<hbm>> -> memref<32x1024xf32, #tpu.memory_space<hbm>>
    tpu.enqueue_dma source(%arg9 : memref<32x1024xf32, #tpu.memory_space<vmem>>) target(%dma_start3A_263 : memref<32x1024xf32, #tpu.memory_space<hbm>>) target_semaphore(%arg15 : memref<!tpu.dma_semaphore, #tpu.memory_space<semaphore_mem>>)
    %dma_wait3A_264 = arith.constant 160 : i32
    %dma_wait3A_265 = tpu.memref_slice %arg6[%dma_wait3A_264] : memref<256xi32, #tpu.memory_space<vmem>> -> memref<32xi32, #tpu.memory_space<vmem>>
    %dma_wait3A_266 = arith.constant 0 : i32
    %dma_wait3A_267 = arith.constant 0 : i32
    %dma_wait3A_268 = tpu.memref_slice %arg4[%dma_wait3A_266, %dma_wait3A_267] : memref<100000x1024xf32, #tpu.memory_space<hbm>> -> memref<100000x1024xf32, #tpu.memory_space<hbm>>
    tpu.wait_indirect_dma semaphore(%arg12 : memref<!tpu.dma_semaphore, #tpu.memory_space<semaphore_mem>>) src(%dma_wait3A_268 : memref<100000x1024xf32, #tpu.memory_space<hbm>>) dst(%arg8 : memref<32x1024xf32, #tpu.memory_space<vmem>>)
    %dma_wait3A_269 = arith.constant 1 : i32
    %dma_wait3A_270 = arith.constant 0 : i32
    %dma_wait3A_271 = tpu.memref_slice %arg5[%dma_wait3A_269, %add3A_256, %dma_wait3A_270] : memref<4x2048x1024xf32, #tpu.memory_space<hbm>> -> memref<1x32x1024xf32, #tpu.memory_space<hbm>>
    %dma_wait3A_272 = tpu.memref_squeeze %dma_wait3A_271 : memref<1x32x1024xf32, #tpu.memory_space<hbm>> -> memref<32x1024xf32, #tpu.memory_space<hbm>>
    %dma_wait3A_273 = arith.constant 0 : i32
    %dma_wait3A_274 = tpu.memref_slice %arg5[%dma_wait3A_269, %add3A_256, %dma_wait3A_273] : memref<4x2048x1024xf32, #tpu.memory_space<hbm>> -> memref<1x32x1024xf32, #tpu.memory_space<hbm>>
    %dma_wait3A_275 = tpu.memref_squeeze %dma_wait3A_274 : memref<1x32x1024xf32, #tpu.memory_space<hbm>> -> memref<32x1024xf32, #tpu.memory_space<hbm>>
    tpu.wait_dma2 semaphore(%arg15 : memref<!tpu.dma_semaphore, #tpu.memory_space<semaphore_mem>>) src(%arg9 : memref<32x1024xf32, #tpu.memory_space<vmem>>) dst(%dma_wait3A_275 : memref<32x1024xf32, #tpu.memory_space<hbm>>)
    %dma_start3A_276 = arith.constant 224 : i32
    %dma_start3A_277 = tpu.memref_slice %arg6[%dma_start3A_276] : memref<256xi32, #tpu.memory_space<vmem>> -> memref<32xi32, #tpu.memory_space<vmem>>
    %dma_start3A_278 = arith.constant 0 : i32
    %dma_start3A_279 = arith.constant 0 : i32
    %dma_start3A_280 = tpu.memref_slice %arg4[%dma_start3A_278, %dma_start3A_279] : memref<100000x1024xf32, #tpu.memory_space<hbm>> -> memref<100000x1024xf32, #tpu.memory_space<hbm>>
    tpu.enqueue_indirect_dma source(%dma_start3A_280 : memref<100000x1024xf32, #tpu.memory_space<hbm>>) target(%arg9 : memref<32x1024xf32, #tpu.memory_space<vmem>>) offsets(%dma_start3A_277 : memref<32xi32, #tpu.memory_space<vmem>>) semaphore(%arg13 : memref<!tpu.dma_semaphore, #tpu.memory_space<semaphore_mem>>)
    %parallel_loop3A_281 = arith.constant 0 : i32
    %parallel_loop3A_282 = arith.constant 2048 : i32
    %parallel_loop3A_283 = arith.constant 1 : i32
    scf.for %parallel_loop3A_324 = %parallel_loop3A_281 to %parallel_loop3A_282 step %parallel_loop3A_283  : i32 {
      %parallel_loop3A_325 = arith.constant 6 : i32
      %parallel_loop3A_326 = arith.shrui %parallel_loop3A_324, %parallel_loop3A_325 : i32
      %parallel_loop3A_327 = arith.constant 63 : i32
      %parallel_loop3A_328 = arith.andi %parallel_loop3A_324, %parallel_loop3A_327 : i32
      %parallel_loop3A_329 = arith.constant 16 : i32
      %parallel_loop3A_330 = arith.muli %parallel_loop3A_328, %parallel_loop3A_329 : i32
      %parallel_loop3A_331 = arith.index_cast %parallel_loop3A_326 : i32 to index
      %parallel_loop3A_332 = arith.index_cast %parallel_loop3A_330 : i32 to index
      %parallel_loop3A_333 = tpu.vector_load %arg7[%parallel_loop3A_331, %parallel_loop3A_332] {strides = array<i32>} : memref<32x1024xf32, #tpu.memory_space<vmem>>, vector<1x16xf32>,
      %parallel_loop3A_334 = vector.shape_cast %parallel_loop3A_333 : vector<1x16xf32> to vector<16xf32>
      %parallel_loop3A_335 = arith.index_cast %parallel_loop3A_326 : i32 to index
      %parallel_loop3A_336 = arith.index_cast %parallel_loop3A_330 : i32 to index
      %parallel_loop3A_337 = tpu.vector_load %arg8[%parallel_loop3A_335, %parallel_loop3A_336] {strides = array<i32>} : memref<32x1024xf32, #tpu.memory_space<vmem>>, vector<1x16xf32>,
      %parallel_loop3A_338 = vector.shape_cast %parallel_loop3A_337 : vector<1x16xf32> to vector<16xf32>
      %parallel_loop3A_339 = vector.shape_cast %parallel_loop3A_334 : vector<16xf32> to vector<1x16xf32>
      tpu.vector_store %arg8[%parallel_loop3A_335, %parallel_loop3A_336], %parallel_loop3A_339 {add = true, strides = array<i32>} : memref<32x1024xf32, #tpu.memory_space<vmem>>, vector<1x16xf32>,
    } {sc.loop_unroll_factor = 8 : i64, sc.parallel_access}
    %add3A_284 = arith.constant 32 : i32
    %add3A_285 = arith.addi %mul3A_2, %add3A_284 : i32
    %dma_start3A_286 = arith.constant 2 : i32
    %dma_start3A_287 = arith.constant 0 : i32
    %dma_start3A_288 = tpu.memref_slice %arg5[%dma_start3A_286, %add3A_285, %dma_start3A_287] : memref<4x2048x1024xf32, #tpu.memory_space<hbm>> -> memref<1x32x1024xf32, #tpu.memory_space<hbm>>
    %dma_start3A_289 = tpu.memref_squeeze %dma_start3A_288 : memref<1x32x1024xf32, #tpu.memory_space<hbm>> -> memref<32x1024xf32, #tpu.memory_space<hbm>>
    %dma_start3A_290 = arith.constant 0 : i32
    %dma_start3A_291 = tpu.memref_slice %arg5[%dma_start3A_286, %add3A_285, %dma_start3A_290] : memref<4x2048x1024xf32, #tpu.memory_space<hbm>> -> memref<1x32x1024xf32, #tpu.memory_space<hbm>>
    %dma_start3A_292 = tpu.memref_squeeze %dma_start3A_291 : memref<1x32x1024xf32, #tpu.memory_space<hbm>> -> memref<32x1024xf32, #tpu.memory_space<hbm>>
    tpu.enqueue_dma source(%arg8 : memref<32x1024xf32, #tpu.memory_space<vmem>>) target(%dma_start3A_292 : memref<32x1024xf32, #tpu.memory_space<hbm>>) target_semaphore(%arg14 : memref<!tpu.dma_semaphore, #tpu.memory_space<semaphore_mem>>)
    %dma_wait3A_293 = arith.constant 224 : i32
    %dma_wait3A_294 = tpu.memref_slice %arg6[%dma_wait3A_293] : memref<256xi32, #tpu.memory_space<vmem>> -> memref<32xi32, #tpu.memory_space<vmem>>
    %dma_wait3A_295 = arith.constant 0 : i32
    %dma_wait3A_296 = arith.constant 0 : i32
    %dma_wait3A_297 = tpu.memref_slice %arg4[%dma_wait3A_295, %dma_wait3A_296] : memref<100000x1024xf32, #tpu.memory_space<hbm>> -> memref<100000x1024xf32, #tpu.memory_space<hbm>>
    tpu.wait_indirect_dma semaphore(%arg13 : memref<!tpu.dma_semaphore, #tpu.memory_space<semaphore_mem>>) src(%dma_wait3A_297 : memref<100000x1024xf32, #tpu.memory_space<hbm>>) dst(%arg9 : memref<32x1024xf32, #tpu.memory_space<vmem>>)
    %parallel_loop3A_298 = arith.constant 0 : i32
    %parallel_loop3A_299 = arith.constant 2048 : i32
    %parallel_loop3A_300 = arith.constant 1 : i32
    scf.for %parallel_loop3A_324 = %parallel_loop3A_298 to %parallel_loop3A_299 step %parallel_loop3A_300  : i32 {
      %parallel_loop3A_325 = arith.constant 6 : i32
      %parallel_loop3A_326 = arith.shrui %parallel_loop3A_324, %parallel_loop3A_325 : i32
      %parallel_loop3A_327 = arith.constant 63 : i32
      %parallel_loop3A_328 = arith.andi %parallel_loop3A_324, %parallel_loop3A_327 : i32
      %parallel_loop3A_329 = arith.constant 16 : i32
      %parallel_loop3A_330 = arith.muli %parallel_loop3A_328, %parallel_loop3A_329 : i32
      %parallel_loop3A_331 = arith.index_cast %parallel_loop3A_326 : i32 to index
      %parallel_loop3A_332 = arith.index_cast %parallel_loop3A_330 : i32 to index
      %parallel_loop3A_333 = tpu.vector_load %arg7[%parallel_loop3A_331, %parallel_loop3A_332] {strides = array<i32>} : memref<32x1024xf32, #tpu.memory_space<vmem>>, vector<1x16xf32>,
      %parallel_loop3A_334 = vector.shape_cast %parallel_loop3A_333 : vector<1x16xf32> to vector<16xf32>
      %parallel_loop3A_335 = arith.index_cast %parallel_loop3A_326 : i32 to index
      %parallel_loop3A_336 = arith.index_cast %parallel_loop3A_330 : i32 to index
      %parallel_loop3A_337 = tpu.vector_load %arg9[%parallel_loop3A_335, %parallel_loop3A_336] {strides = array<i32>} : memref<32x1024xf32, #tpu.memory_space<vmem>>, vector<1x16xf32>,
      %parallel_loop3A_338 = vector.shape_cast %parallel_loop3A_337 : vector<1x16xf32> to vector<16xf32>
      %parallel_loop3A_339 = vector.shape_cast %parallel_loop3A_334 : vector<16xf32> to vector<1x16xf32>
      tpu.vector_store %arg9[%parallel_loop3A_335, %parallel_loop3A_336], %parallel_loop3A_339 {add = true, strides = array<i32>} : memref<32x1024xf32, #tpu.memory_space<vmem>>, vector<1x16xf32>,
    } {sc.loop_unroll_factor = 8 : i64, sc.parallel_access}
    %add3A_301 = arith.constant 32 : i32
    %add3A_302 = arith.addi %mul3A_2, %add3A_301 : i32
    %dma_start3A_303 = arith.constant 3 : i32
    %dma_start3A_304 = arith.constant 0 : i32
    %dma_start3A_305 = tpu.memref_slice %arg5[%dma_start3A_303, %add3A_302, %dma_start3A_304] : memref<4x2048x1024xf32, #tpu.memory_space<hbm>> -> memref<1x32x1024xf32, #tpu.memory_space<hbm>>
    %dma_start3A_306 = tpu.memref_squeeze %dma_start3A_305 : memref<1x32x1024xf32, #tpu.memory_space<hbm>> -> memref<32x1024xf32, #tpu.memory_space<hbm>>
    %dma_start3A_307 = arith.constant 0 : i32
    %dma_start3A_308 = tpu.memref_slice %arg5[%dma_start3A_303, %add3A_302, %dma_start3A_307] : memref<4x2048x1024xf32, #tpu.memory_space<hbm>> -> memref<1x32x1024xf32, #tpu.memory_space<hbm>>
    %dma_start3A_309 = tpu.memref_squeeze %dma_start3A_308 : memref<1x32x1024xf32, #tpu.memory_space<hbm>> -> memref<32x1024xf32, #tpu.memory_space<hbm>>
    tpu.enqueue_dma source(%arg9 : memref<32x1024xf32, #tpu.memory_space<vmem>>) target(%dma_start3A_309 : memref<32x1024xf32, #tpu.memory_space<hbm>>) target_semaphore(%arg15 : memref<!tpu.dma_semaphore, #tpu.memory_space<semaphore_mem>>)
    %dma_wait3A_310 = arith.constant 2 : i32
    %dma_wait3A_311 = arith.constant 0 : i32
    %dma_wait3A_312 = tpu.memref_slice %arg5[%dma_wait3A_310, %add3A_285, %dma_wait3A_311] : memref<4x2048x1024xf32, #tpu.memory_space<hbm>> -> memref<1x32x1024xf32, #tpu.memory_space<hbm>>
    %dma_wait3A_313 = tpu.memref_squeeze %dma_wait3A_312 : memref<1x32x1024xf32, #tpu.memory_space<hbm>> -> memref<32x1024xf32, #tpu.memory_space<hbm>>
    %dma_wait3A_314 = arith.constant 0 : i32
    %dma_wait3A_315 = tpu.memref_slice %arg5[%dma_wait3A_310, %add3A_285, %dma_wait3A_314] : memref<4x2048x1024xf32, #tpu.memory_space<hbm>> -> memref<1x32x1024xf32, #tpu.memory_space<hbm>>
    %dma_wait3A_316 = tpu.memref_squeeze %dma_wait3A_315 : memref<1x32x1024xf32, #tpu.memory_space<hbm>> -> memref<32x1024xf32, #tpu.memory_space<hbm>>
    tpu.wait_dma2 semaphore(%arg14 : memref<!tpu.dma_semaphore, #tpu.memory_space<semaphore_mem>>) src(%arg8 : memref<32x1024xf32, #tpu.memory_space<vmem>>) dst(%dma_wait3A_316 : memref<32x1024xf32, #tpu.memory_space<hbm>>)
    %dma_wait3A_317 = arith.constant 3 : i32
    %dma_wait3A_318 = arith.constant 0 : i32
    %dma_wait3A_319 = tpu.memref_slice %arg5[%dma_wait3A_317, %add3A_302, %dma_wait3A_318] : memref<4x2048x1024xf32, #tpu.memory_space<hbm>> -> memref<1x32x1024xf32, #tpu.memory_space<hbm>>
    %dma_wait3A_320 = tpu.memref_squeeze %dma_wait3A_319 : memref<1x32x1024xf32, #tpu.memory_space<hbm>> -> memref<32x1024xf32, #tpu.memory_space<hbm>>
    %dma_wait3A_321 = arith.constant 0 : i32
    %dma_wait3A_322 = tpu.memref_slice %arg5[%dma_wait3A_317, %add3A_302, %dma_wait3A_321] : memref<4x2048x1024xf32, #tpu.memory_space<hbm>> -> memref<1x32x1024xf32, #tpu.memory_space<hbm>>
    %dma_wait3A_323 = tpu.memref_squeeze %dma_wait3A_322 : memref<1x32x1024xf32, #tpu.memory_space<hbm>> -> memref<32x1024xf32, #tpu.memory_space<hbm>>
    tpu.wait_dma2 semaphore(%arg15 : memref<!tpu.dma_semaphore, #tpu.memory_space<semaphore_mem>>) src(%arg9 : memref<32x1024xf32, #tpu.memory_space<vmem>>) dst(%dma_wait3A_323 : memref<32x1024xf32, #tpu.memory_space<hbm>>)
    return
  }
}

</mosaic_0001>

<sc_bundles>
// kernel: kernel.3.cloned.1.call-start
scs
__scs_entry_jumppad:
0x0: {  	(pc) =	sbr.rel $0x88, $3  }
0x1: {  	(tag) =	ssettag $0x0;
	lr =	simm.s32 $0x1  }
0x2: {  	[smem:$0x3F9F] =	sst lr;
	_ =	strace $0xD0000000  }
0x3: {  	_ = 	snop  }
0x4: {  	_ = 	snop  }
0x5: {  	_ = 	snop  }
0x6: {  	_ = 	snop  }
0x7: {  	_ = 	snop  }
__scs_overlays_trampoline_lowered:
0x8: {  	[smem:$0x3FAE] =	sst s0  }
0x9: {  	[smem:$0x3FAF] =	sst s1  }
0xa: {  	[smem:$0x3FB0] =	sst s2  }
0xb: {  	[smem:$0x3FB1] =	sst s3  }
0xc: {  	[smem:$0x3FB2] =	sst s4  }
0xd: {  	[smem:$0x3FB3] =	sst s5  }
0xe: {  	[smem:$0x3FB4] =	sst s6  }
0xf: {  	[smem:$0x3FB5] =	sst s7  }
0x10: {  	[smem:$0x3FB6] =	sst s8  }
0x11: {  	[smem:$0x3FB7] =	sst s9;
	s0 =	simm.s32 @!p0 $0x0  }
0x12: {  	s1 =	sld [smem:$0x3F9D];
	s0 =	simm.s32 @p0 $0x1  }
0x13: {  	[smem:$0x3FB8] =	sst s0;
	s0 =	simm.s32 @!p1 $0x0  }
0x14: {  	s2 =	sld [smem:$0x3F9C];
	s0 =	simm.s32 @p1 $0x1  }
0x15: {  	[smem:$0x3FB9] =	sst s0;
	s0 =	simm.s32 @!p2 $0x0  }
0x16: {  	s3 =	sld [smem:$0x3FDB];
	s0 =	simm.s32 @p2 $0x1  }
0x17: {  	s4 =	simm.s32 $0x1BF5;
	[smem:$0x3FBB] =	sst s0  }
0x18: {  	s0 =	sld [smem:$0x3F9E];
	_ =	swait.ge [sflag:s4], $0x0  }
0x19: {  	s7 =	sld [smem:$0x3F9F]  }
0x1a: {  	s8 =	sadd.s32 $0xFFFFE003, lr  }
0x1b: {  	s9 =	sadd.s32 $0xFFFFFEF7, lr;
	s5 =	simm.s32 $0xFFFFFFFF;
	p2 =	slt.u32 s8, $0xFFFFF086  }
0x1c: {  	p1 =	slt.u32 s9, $0xF7A;
	s5 =	simm.s32 @!p2 $0x0  }
0x1d: {  	s5 =	simm.s32 @p1 $0x1;
	p0 =	seq.s32 s7, s2  }
0x1e: {  	s7 =	smul.u32 @!p0 $0xF7A, s2;
	p2 =	seq.s32 @!p0 s5, $0x0  }
0x1f: {  	s9 =	smul.u32 $0xF7A, s1;
	s8 =	simm.s32 @!p0 $0x1BF5;
	p2 =	por !p2, p0  }
0x20: {  	[sflag:s8] =	ssyncset.s32 @!p0 $0xFFFFF086;
	s6 =	sadd.s32 @!p0 s3, s7;
	s7 =	simm.s32 @!p0 $0x108  }
0x21: {  	s3 =	sadd.s32 s3, s9;
	s6 =	sadd.s32 @!p0 $0x88, s6;
	s7 =	simm.s32 @p2 $0x1082  }
0x22: {  	[simem:s7], [sflag:s8] =	dma.local @!p0 [hbm:s6], $0xF7A  }
0x23: {  	s9 =	sor.u32 $0xD0000000, s2;
	s6 =	simm.s32 $0x108;
	_ =	swait.ge @!p0 [sflag:s8], $0x0  }
0x24: {  	s3 =	sadd.s32 $0x88, s3;
	s6 =	simm.s32 @!p1 $0x1082;
	[sflag:s4] =	ssyncset.s32 $0xFFFFF086  }
0x25: {  	[simem:s6], [sflag:s4] =	dma.local [hbm:s3], $0xF7A  }
0x26: {  	[smem:$0x3F9F] =	sst s1;
	(tag) =	ssettag s2;
	_ =	strace s9  }
0x27: {  	s1 =	sld [smem:$0x3FAF]  }
0x28: {  	s2 =	sld [smem:$0x3FB0]  }
0x29: {  	s4 =	sld [smem:$0x3FB2]  }
0x2a: {  	p0 =	seq.s32 s5, $0x0;
	s5 =	sld [smem:$0x3FB3]  }
0x2b: {  	s6 =	sld [smem:$0x3FB4]  }
0x2c: {  	s7 =	sld [smem:$0x3FB5]  }
0x2d: {  	s3 =	simm.s32 $0x108;
	s8 =	sld [smem:$0x3FB6]  }
0x2e: {  	s3 =	simm.s32 @!p0 $0x1082;
	s9 =	sld [smem:$0x3FB7]  }
0x2f: {  	lr =	sadd.s32 s0, s3;
	s0 =	sld [smem:$0x3FAE]  }
0x30: {  	s3 =	sld [smem:$0x3FB1]  }
0x31: {  	[smem:$0x3FBA] =	sst s10  }
0x32: {  	s10 =	sld [smem:$0x3FB8];
	_ =	sdelay $0x3  }
0x33: {  	p0 =	seq.s32 s10, $0x1;
	s10 =	sld [smem:$0x3FBA];
	_ =	sdelay $0x3  }
0x34: {  	[smem:$0x3FBA] =	sst s10  }
0x35: {  	s10 =	sld [smem:$0x3FB9];
	_ =	sdelay $0x3  }
0x36: {  	p1 =	seq.s32 s10, $0x1;
	s10 =	sld [smem:$0x3FBA];
	_ =	sdelay $0x3  }
0x37: {  	[smem:$0x3FBA] =	sst s10  }
0x38: {  	s10 =	sld [smem:$0x3FBB]  }
0x39: {  	_ = 	snop;
	(pc) =	sbr.ind lr, $3  }
0x3a: {  	_ = 	snop  }
0x3b: {  	_ = 	snop  }
0x3c: {  	p2 =	seq.s32 s10, $0x1;
	s10 =	sld [smem:$0x3FBA]  }
0x3d: {  	_ =	shalt  }
0x3e: {  	_ =	shalt  }
0x3f: {  	_ =	shalt  }
0x40: {  	_ =	shalt  }
0x41: {  	_ =	shalt  }
0x42: {  	_ =	shalt  }
0x43: {  	_ =	shalt  }
0x44: {  	_ =	shalt  }
0x45: {  	_ =	shalt  }
0x46: {  	_ =	shalt  }
0x47: {  	_ =	shalt  }
0x48: {  	_ =	shalt  }
0x49: {  	_ =	shalt  }
0x4a: {  	_ =	shalt  }
0x4b: {  	_ =	shalt  }
0x4c: {  	_ =	shalt  }
0x4d: {  	_ =	shalt  }
0x4e: {  	_ =	shalt  }
0x4f: {  	_ =	shalt  }
0x50: {  	_ =	shalt  }
0x51: {  	_ =	shalt  }
0x52: {  	_ =	shalt  }
0x53: {  	_ =	shalt  }
0x54: {  	_ =	shalt  }
0x55: {  	_ =	shalt  }
0x56: {  	_ =	shalt  }
0x57: {  	_ =	shalt  }
0x58: {  	_ =	shalt  }
0x59: {  	_ =	shalt  }
0x5a: {  	_ =	shalt  }
0x5b: {  	_ =	shalt  }
0x5c: {  	_ =	shalt  }
0x5d: {  	_ =	shalt  }
0x5e: {  	_ =	shalt  }
0x5f: {  	_ =	shalt  }
0x60: {  	_ =	shalt  }
0x61: {  	_ =	shalt  }
0x62: {  	_ =	shalt  }
0x63: {  	_ =	shalt  }
0x64: {  	_ =	shalt  }
0x65: {  	_ =	shalt  }
0x66: {  	_ =	shalt  }
0x67: {  	_ =	shalt  }
0x68: {  	_ =	shalt  }
0x69: {  	_ =	shalt  }
0x6a: {  	_ =	shalt  }
0x6b: {  	_ =	shalt  }
0x6c: {  	_ =	shalt  }
0x6d: {  	_ =	shalt  }
0x6e: {  	_ =	shalt  }
0x6f: {  	_ =	shalt  }
0x70: {  	_ =	shalt  }
0x71: {  	_ =	shalt  }
0x72: {  	_ =	shalt  }
0x73: {  	_ =	shalt  }
0x74: {  	_ =	shalt  }
0x75: {  	_ =	shalt  }
0x76: {  	_ =	shalt  }
0x77: {  	_ =	shalt  }
0x78: {  	_ =	shalt  }
0x79: {  	_ =	shalt  }
0x7a: {  	_ =	shalt  }
0x7b: {  	_ =	shalt  }
0x7c: {  	_ =	shalt  }
0x7d: {  	_ =	shalt  }
0x7e: {  	_ =	shalt  }
0x7f: {  	_ =	shalt  }
0x80: {  	_ =	shalt  }
0x81: {  	_ =	shalt  }
0x82: {  	_ =	shalt  }
0x83: {  	_ =	shalt  }
0x84: {  	_ =	shalt  }
0x85: {  	_ =	shalt  }
0x86: {  	_ =	shalt  }
0x87: {  	_ =	shalt  }
.Lfunc_end0:
.L_simem_size_0:
called_computation_lowered:
.L_overlay_start_0:
0x88: {  	s2 =	sld [smem:$0x3FD9]  }
0x89: {  	s3 =	sld [smem:$0x3FFE];
	_ =	sdelay $0x1  }
0x8a: {  	s1 =	srdreg.scid  }
0x8b: {  	s0 =	sand.u32 $0x1, s1  }
0x8c: {  	s17 =	sshll.u32 s0, $0xA;
	s2 =	sadd.s32 s3, s2  }
0x8d: {  	s2 =	sadd.s32 s2, s17  }
0x8e: {  	[smem:$0x3FC6] =	sst s2  }
0x8f: {  	_ = 	snop  }
0x90: {  	s2 =	sld [smem:$0x3FC9]  }
0x91: {  	s18 =	sld [smem:$0x3FC8]  }
0x92: {  	s4 =	sld [smem:$0x3FD0];
	(tm) =	ssettm $0x1  }
0x93: {  	s5 =	sld [smem:$0x3FFB];
	_ =	sdelay $0x3  }
0x94: {  	_ =	strace s5  }
0x95: {  	s5 =	sld [smem:$0x3FFC];
	_ =	sdelay $0x3  }
0x96: {  	_ =	strace s5  }
0x97: {  	s5 =	sld [smem:$0x3FFD];
	_ =	sdelay $0x3  }
0x98: {  	_ =	strace s5  }
0x99: {  	_ =	strace $0x8FFFFFFF  }
0x9a: {  	s19 =	sld [smem:$0x3FDB];
	_ =	sdelay $0x1  }
0x9b: {  	s6 =	simm.s32 $_scs_section_size  }
0x9c: {  	s7 =	simm.s32 $_size__tile_overlayer_lowered;
	s8 =	simm.s32 $_tile_overlayer_lowered  }
0x9d: {  	s22 =	simm.s32 $0x1BFF;
	s21 =	sshll.u32 s8, $0x1;
	s5 =	sadd.s32 s6, s19  }
0x9e: {  	s9 =	simm.s32 $0x0;
	s20 =	sshll.u32 s7, $0x1;
	s7 =	sadd.s32 s21, s5  }
0x9f: {  	[timem:s9], [sflag:s22] =	dma.local [hbm:s7], s20  }
0xa0: {  	_ =	swait.ge [sflag:s22], s20  }
0xa1: {  	s6 =	ssub.s32 $0x0, s20;
	[sflag:s22] =	ssyncset.done $0x0  }
0xa2: {  	[sflag:s22] =	ssyncadd.s32 s6;
	_ =	sdelay $0x1  }
0xa3: {  	s23 =	simm.s32 $0x1B8B  }
0xa4: {  	_ =	swait.ge [sflag:s23], $0x1  }
0xa5: {  	[sflag:s23] =	ssyncset.done $0x0  }
0xa6: {  	s25 =	simm.s32 $0x1B8E;
	s24 =	sld [smem:$0x3FFE];
	[sflag:s23] =	ssyncadd.s32 $0xFFFFFFFF  }
0xa7: {  	s26 =	simm.s32 $execute0_lowered;
	[smem:$0x3FD2] =	sst s25  }
0xa8: {  	s7 =	sshll.u32 s26, $0x1;
	_ =	strace $0x80000046;
	[dreg:$0x1] =	wrdreg $0xFFFFFFFF  }
0xa9: {  	s28 =	simm.s32 $_size_execute0_lowered;
	s5 =	sadd.s32 s5, s7;
	[dreg:$0x0] =	wrdreg $0x0  }
0xaa: {  	s7 =	sshll.u32 s28, $0x1;
	[dreg:$0x2] =	wrdreg s5  }
0xab: {  	[dreg:$0x3] =	wrdreg s7  }
0xac: {  	[dreg:$0x4] =	wrdreg $0xC0  }
0xad: {  	_ =	task [dreg:s9], $0x5FFFF  }
0xae: {  	[dreg:$0x1] =	wrdreg $0xFFFFFFFF  }
0xaf: {  	[dreg:$0x0] =	wrdreg $0x60  }
0xb0: {  	[dreg:$0x2] =	wrdreg s2  }
0xb1: {  	[dreg:$0x3] =	wrdreg s24  }
0xb2: {  	[dreg:$0x4] =	wrdreg s18  }
0xb3: {  	[dreg:$0x5] =	wrdreg s4  }
0xb4: {  	[dreg:$0x6] =	wrdreg $0x9  }
0xb5: {  	_ =	task.clear_ibuf [dreg:s9], $0x7FFFF;
	_ =	strace $0x90000046  }
0xb6: {  	s29 =	simm.s32 $0x9;
	_ =	strace $0x80000048  }
0xb7: {  	_ =	swait.ge [sflag:s29], $0x1  }
0xb8: {  	[sflag:s29] =	ssyncadd.s32 $0xFFFFFFFF  }
0xb9: {  	_ =	strace $0x90000048  }
0xba: {  	_ =	sfence  }
0xbb: {  	s30 =	sld [smem:$0x0];
	_ =	sdelay $0x2  }
0xbc: {  	s31 =	sshll.u32 s1, $0xD;
	s1 =	sshrl.u32 s1, $0x2  }
0xbd: {  	s3 =	sand.u32 $0x4000, s31;
	s1 =	sadd.s32 s1, s30  }
0xbe: {  	s0 =	sor.u32 s3, s0;
	s1 =	sshll.u32 s1, $0x11  }
0xbf: {  	s0 =	sor.u32 s1, s0  }
0xc0: {  	s0 =	sadd.s32 $0x8F2B, s0  }
0xc1: {  	[sflag:s0] =	ssyncadd.remote.s32 $0x1  }
0xc2: {  	_ =	sfence.sel $0xFFFF  }
0xc3: {  	[dreg:$0x0] =	wrdreg $0xFFFFFFFF;
	(pc) =	sbr.abs _section_cstart, $3  }
0xc4: {  	[dreg:$0x1] =	wrdreg $0xFFFFFFFF  }
0xc5: {  	_ =	task.clear_ibuf [dreg:s9], $0x2FFFF;
	_ =	strace $0x9FFFFFFF  }
0xc6: {  	(tm) =	ssettm $0x7FFFFFFF  }
0xc7: {  	_ =	shalt  }
tec
execute0_lowered:
.L_overlay_start_1:
0x0: {  	(tag) =	ssettag $0x1  }
0x1: {  	s0 =	rddreg [dreg:$0x0]  }
0x2: {  	s4 =	rddreg [dreg:$0x1]  }
0x3: {  	s1 =	srdreg.scid;
	s2 =	rddreg [dreg:$0x2]  }
0x4: {  	s3 =	stileid.u32;
	s6 =	rddreg [dreg:$0x3];
	s28 =	simm.s32 $0x8100  }
0x5: {  	s11 =	simm.s32 $0x13900;
	s29 =	simm.s32 $0x14100;
	s30 =	simm.s32 $0x14900  }
0x6: {  	s31 =	simm.s32 $0x15100;
	s1 =	sand.u32 $0x1, s1;
	s3 =	sshll.u32 s3, $0x7  }
0x7: {  	s4 =	sadd.s32 $0x400, s4;
	s12 =	sadd.s32 $0x300, s2;
	s5 =	sshll.u32 s1, $0x6  }
0x8: {  	s1 =	ssub.s32 $0x2, s1;
	s7 =	sor.u32 s5, s3;
	s3 =	simm.s32 $0x0  }
0x9: {  	s10 =	sshrl.u32 s1, $0x1;
	s8 =	sshll.u32 s7, $0x2;
	s7 =	sshll.u32 s7, $0x7  }
0xa: {  	[smem:$0x7FF] =	sst s3;
	s1 =	ssub.s32 s1, s10;
	s17 =	sadd.s32 s4, s7  }
0xb: {  	_ =	strace $0x80000047;
	s18 =	sadd.s32 s6, s7;
	[dreg:$0x9] =	wrdreg s17  }
0xc: {  	s10 =	sadd.s32 $0x200, s2;
	s26 =	smax.u32 s1, $0x1;
	[dreg:$0xa] =	wrdreg s18  }
0xd: {  	s9 =	sand.u32 $0x1E00, s8;
	s19 =	sadd.s32 $0x40000, s18;
	[dreg:$0x13] =	wrdreg s26  }
0xe: {  	s20 =	sor.u32 $0x1000, s7;
	s21 =	sadd.s32 $0x80000, s18;
	[dreg:$0xb] =	wrdreg s19  }
0xf: {  	s1 =	simm.s32 $0x15900;
	s4 =	sadd.s32 s4, s20;
	[dreg:$0xc] =	wrdreg s21  }
0x10: {  	s7 =	simm.s32 $0x5;
	s22 =	sadd.s32 $0xC0000, s18;
	[dreg:$0xd] =	wrdreg s4  }
0x11: {  	s9 =	sor.u32 s5, s9;
	s23 =	sadd.s32 $0x41000, s18;
	[dreg:$0xe] =	wrdreg s22  }
0x12: {  	s5 =	sor.u32 s5, s8;
	s24 =	sadd.s32 $0x81000, s18;
	[dreg:$0x10] =	wrdreg s23  }
0x13: {  	s25 =	sadd.s32 $0xC1000, s18;
	s26 =	simm.s32 $0x2;
	[dreg:$0x11] =	wrdreg s24  }
0x14: {  	s9 =	sshrl.u32 s9, $0x3;
	s5 =	sshrl.u32 s5, $0x3;
	[dreg:$0x12] =	wrdreg s25  }
0x15: {  	s4 =	simm.s32 $0x13100;
	s22 =	simm.s32 $0x16900;
	s23 =	simm.s32 $0x17100  }
0x16: {  	s24 =	simm.s32 $0x17900;
	s25 =	simm.s32 $0x0;
	s9 =	sadd.s32 s0, s9  }
0x17: {  	s16 =	sor.u32 $0x20, s5;
	[dreg:$0x5] =	wrdreg s9;
	s15 =	sadd.s32 $0x10, s9  }
0x18: {  	s5 =	sor.u32 $0x30, s5;
	s8 =	sadd.s32 s0, s16;
	[dreg:$0x6] =	wrdreg s15  }
0x19: {  	s0 =	sadd.s32 s0, s5;
	s9 =	sadd.s32 $0x100, s2;
	[dreg:$0x7] =	wrdreg s8  }
0x1a: {  	v2 =	vlaneseq.u32;
	s16 =	simm.s32 $0x10100;
	s5 =	simm.s32 $0x1;
	[dreg:$0x8] =	wrdreg s0  }
0x1b: {  	vm0 =	vmmov $0xffff;
	v1 =	vshrl.u32 v2, $0x3;
	s0 =	sadd.s32 s6, s20;
	s15 =	simm.s32 $0x3;
	s6 =	simm.s32 $0x4  }
0x1c: {  	v0 =	vand.u32 $0x7, v2;
	v2 =	vor.u32 $0x8, v2;
	v1 =	vmul.u32 $0x8, v1;
	s8 =	simm.s32 $0x6;
	[dreg:$0xf] =	wrdreg s0;
	s0 =	simm.s32 $0x16100  }
.LBB2_1:
0x1d: {  	s13 =	rddreg [dreg:$0x5]  }
0x1e: {  	[tilespmem:s3], [sflag:$0x2] =	stream.linear.gather [hbm4b:s13+s3], $0x40, $0x38;
	[tilespmem:$0x18100] =	vst v63  }
0x1f: {  	s21 =	rddreg [dreg:$0x6];
	s14 =	simm.s32 $0x40  }
0x20: {  	[tilespmem:s14], [sflag:$0x2] =	stream.linear.gather [hbm4b:s21+s3], $0x40, $0x38;
	[tilespmem:$0x18100] =	vst v63  }
0x21: {  	s17 =	simm.s32 $0x80;
	s14 =	rddreg [dreg:$0x7]  }
0x22: {  	[tilespmem:s17], [sflag:$0x2] =	stream.linear.gather [hbm4b:s14+s3], $0x40, $0x38;
	[tilespmem:$0x18100] =	vst v63  }
0x23: {  	s18 =	rddreg [dreg:$0x8];
	s19 =	simm.s32 $0xC0  }
0x24: {  	[tilespmem:s19], [sflag:$0x2] =	stream.linear.gather [hbm4b:s18+s3], $0x40, $0x38;
	[tilespmem:$0x18100] =	vst v63  }
0x25: {  	s20 =	rddreg [dreg:$0x9];
	s21 =	simm.s32 $0x100  }
0x26: {  	[tilespmem:s21], [sflag:$0x1] =	stream.linear.gather [hbm4b:s20+s3], $0x8000, $0x38;
	[tilespmem:$0x18100] =	vst v63  }
0x27: {  	_ =	swait.ge [sflag:s26], $0x40  }
0x28: {  	[sflag:s26] =	ssyncset.done $0x0  }
0x29: {  	[sflag:s26] =	ssyncadd.s32 $0xFFFFFFC0  }
0x2a: {  	_ =	swait.ge [sflag:s26], $0x40  }
0x2b: {  	[sflag:s26] =	ssyncset.done $0x0  }
0x2c: {  	[sflag:s26] =	ssyncadd.s32 $0xFFFFFFC0  }
0x2d: {  	_ =	swait.ge [sflag:s26], $0x40  }
0x2e: {  	[sflag:s26] =	ssyncset.done $0x0  }
0x2f: {  	[sflag:s26] =	ssyncadd.s32 $0xFFFFFFC0  }
0x30: {  	_ =	swait.ge [sflag:s26], $0x40  }
0x31: {  	[sflag:s26] =	ssyncset.done $0x0  }
0x32: {  	[sflag:s26] =	ssyncadd.s32 $0xFFFFFFC0  }
0x33: {  	v3 =	vld [tilespmem:$0x0];
	_ =	sdelay $0x4  }
0x34: {  	v4 =	vshll.u32 v3, $0x3  }
0x35: {  	v3 =	vand.u32 $0x7, v3;
	v4 =	vand.u32 $0xFFFFFFC0, v4  }
0x36: {  	v3 =	vor.u32 v3, v4  }
0x37: {  	v4 =	vperm.xlane v3, v0;
	_ =	sdelay $0x1  }
0x38: {  	v4 =	vadd.s32 v1, v4;
	_ =	sdelay $0x4  }
0x39: {  	[tilespmem:s28], [sflag:$0x3] =	stream.indirect_vreg.gather [hbm4b:s2+s3], $0x80, v4, vm0, $0xb8;
	[tilespmem:$0x18100] =	vst v63  }
0x3a: {  	s17 =	simm.s32 $0x8900;
	v3 =	vperm.xlane v3, v2  }
0x3b: {  	[tilespmem:s17], [sflag:$0x3] =	stream.indirect_vreg.gather [hbm4b:s9+s3], $0x80, v4, vm0, $0xb8;
	[tilespmem:$0x18100] =	vst v63  }
0x3c: {  	s18 =	simm.s32 $0x9100;
	v3 =	vadd.s32 v1, v3  }
0x3d: {  	[tilespmem:s18], [sflag:$0x3] =	stream.indirect_vreg.gather [hbm4b:s10+s3], $0x80, v4, vm0, $0xb8;
	[tilespmem:$0x18100] =	vst v63  }
0x3e: {  	s19 =	simm.s32 $0x9900  }
0x3f: {  	[tilespmem:s19], [sflag:$0x3] =	stream.indirect_vreg.gather [hbm4b:s12+s3], $0x80, v4, vm0, $0xb8;
	[tilespmem:$0x18100] =	vst v63  }
0x40: {  	s20 =	simm.s32 $0xA100  }
0x41: {  	[tilespmem:s20], [sflag:$0x3] =	stream.indirect_vreg.gather [hbm4b:s2+s3], $0x80, v3, vm0, $0xb8;
	[tilespmem:$0x18100] =	vst v63  }
0x42: {  	s21 =	simm.s32 $0xA900  }
0x43: {  	[tilespmem:s21], [sflag:$0x3] =	stream.indirect_vreg.gather [hbm4b:s9+s3], $0x80, v3, vm0, $0xb8;
	[tilespmem:$0x18100] =	vst v63  }
0x44: {  	s14 =	simm.s32 $0xB100  }
0x45: {  	[tilespmem:s14], [sflag:$0x3] =	stream.indirect_vreg.gather [hbm4b:s10+s3], $0x80, v3, vm0, $0xb8;
	[tilespmem:$0x18100] =	vst v63  }
0x46: {  	s17 =	simm.s32 $0xB900  }
0x47: {  	[tilespmem:s17], [sflag:$0x3] =	stream.indirect_vreg.gather [hbm4b:s12+s3], $0x80, v3, vm0, $0xb8;
	[tilespmem:$0x18100] =	vst v63  }
0x48: {  	v3 =	vld [tilespmem:$0x10];
	_ =	sdelay $0x4  }
0x49: {  	v4 =	vshll.u32 v3, $0x3  }
0x4a: {  	v3 =	vand.u32 $0x7, v3;
	v4 =	vand.u32 $0xFFFFFFC0, v4  }
0x4b: {  	v3 =	vor.u32 v3, v4  }
0x4c: {  	v4 =	vperm.xlane v3, v0;
	_ =	sdelay $0x1  }
0x4d: {  	v4 =	vadd.s32 v1, v4;
	_ =	sdelay $0x3  }
0x4e: {  	s18 =	simm.s32 $0xC100  }
0x4f: {  	[tilespmem:s18], [sflag:$0x3] =	stream.indirect_vreg.gather [hbm4b:s2+s3], $0x80, v4, vm0, $0xb8;
	[tilespmem:$0x18100] =	vst v63  }
0x50: {  	s19 =	simm.s32 $0xC900;
	v3 =	vperm.xlane v3, v2  }
0x51: {  	[tilespmem:s19], [sflag:$0x3] =	stream.indirect_vreg.gather [hbm4b:s9+s3], $0x80, v4, vm0, $0xb8;
	[tilespmem:$0x18100] =	vst v63  }
0x52: {  	s20 =	simm.s32 $0xD100;
	v3 =	vadd.s32 v1, v3  }
0x53: {  	[tilespmem:s20], [sflag:$0x3] =	stream.indirect_vreg.gather [hbm4b:s10+s3], $0x80, v4, vm0, $0xb8;
	[tilespmem:$0x18100] =	vst v63  }
0x54: {  	s21 =	simm.s32 $0xD900  }
0x55: {  	[tilespmem:s21], [sflag:$0x3] =	stream.indirect_vreg.gather [hbm4b:s12+s3], $0x80, v4, vm0, $0xb8;
	[tilespmem:$0x18100] =	vst v63  }
0x56: {  	s14 =	simm.s32 $0xE100  }
0x57: {  	[tilespmem:s14], [sflag:$0x3] =	stream.indirect_vreg.gather [hbm4b:s2+s3], $0x80, v3, vm0, $0xb8;
	[tilespmem:$0x18100] =	vst v63  }
0x58: {  	s17 =	simm.s32 $0xE900  }
0x59: {  	[tilespmem:s17], [sflag:$0x3] =	stream.indirect_vreg.gather [hbm4b:s9+s3], $0x80, v3, vm0, $0xb8;
	[tilespmem:$0x18100] =	vst v63  }
0x5a: {  	s18 =	simm.s32 $0xF100  }
0x5b: {  	[tilespmem:s18], [sflag:$0x3] =	stream.indirect_vreg.gather [hbm4b:s10+s3], $0x80, v3, vm0, $0xb8;
	[tilespmem:$0x18100] =	vst v63  }
0x5c: {  	s19 =	simm.s32 $0xF900  }
0x5d: {  	[tilespmem:s19], [sflag:$0x3] =	stream.indirect_vreg.gather [hbm4b:s12+s3], $0x80, v3, vm0, $0xb8;
	[tilespmem:$0x18100] =	vst v63  }
0x5e: {  	_ =	swait.ge [sflag:s15], $0x8000  }
0x5f: {  	[sflag:s15] =	ssyncset.done $0x0  }
0x60: {  	[sflag:s15] =	ssyncadd.s32 $0xFFFF8000  }
0x61: {  	v3 =	vld [tilespmem:$0x40];
	_ =	sdelay $0x4  }
0x62: {  	v4 =	vshll.u32 v3, $0x3  }
0x63: {  	v3 =	vand.u32 $0x7, v3;
	v4 =	vand.u32 $0xFFFFFFC0, v4  }
0x64: {  	v3 =	vor.u32 v3, v4  }
0x65: {  	v4 =	vperm.xlane v3, v0;
	_ =	sdelay $0x1  }
0x66: {  	v4 =	vadd.s32 v1, v4;
	_ =	sdelay $0x4  }
0x67: {  	[tilespmem:s16], [sflag:$0x4] =	stream.indirect_vreg.gather [hbm4b:s2+s3], $0x80, v4, vm0, $0xb8;
	[tilespmem:$0x18100] =	vst v63  }
0x68: {  	s20 =	simm.s32 $0x10900;
	v3 =	vperm.xlane v3, v2  }
0x69: {  	[tilespmem:s20], [sflag:$0x4] =	stream.indirect_vreg.gather [hbm4b:s9+s3], $0x80, v4, vm0, $0xb8;
	[tilespmem:$0x18100] =	vst v63  }
0x6a: {  	s21 =	simm.s32 $0x11100;
	v3 =	vadd.s32 v1, v3  }
0x6b: {  	[tilespmem:s21], [sflag:$0x4] =	stream.indirect_vreg.gather [hbm4b:s10+s3], $0x80, v4, vm0, $0xb8;
	[tilespmem:$0x18100] =	vst v63  }
0x6c: {  	s14 =	simm.s32 $0x11900  }
0x6d: {  	[tilespmem:s14], [sflag:$0x4] =	stream.indirect_vreg.gather [hbm4b:s12+s3], $0x80, v4, vm0, $0xb8;
	[tilespmem:$0x18100] =	vst v63  }
0x6e: {  	s17 =	simm.s32 $0x12100  }
0x6f: {  	[tilespmem:s17], [sflag:$0x4] =	stream.indirect_vreg.gather [hbm4b:s2+s3], $0x80, v3, vm0, $0xb8;
	[tilespmem:$0x18100] =	vst v63  }
0x70: {  	s18 =	simm.s32 $0x12900  }
0x71: {  	[tilespmem:s18], [sflag:$0x4] =	stream.indirect_vreg.gather [hbm4b:s9+s3], $0x80, v3, vm0, $0xb8;
	[tilespmem:$0x18100] =	vst v63  }
0x72: {  	_ = 	snop  }
0x73: {  	[tilespmem:s4], [sflag:$0x4] =	stream.indirect_vreg.gather [hbm4b:s10+s3], $0x80, v3, vm0, $0xb8;
	[tilespmem:$0x18100] =	vst v63  }
0x74: {  	_ = 	snop  }
0x75: {  	[tilespmem:s11], [sflag:$0x4] =	stream.indirect_vreg.gather [hbm4b:s12+s3], $0x80, v3, vm0, $0xb8;
	[tilespmem:$0x18100] =	vst v63  }
0x76: {  	v3 =	vld [tilespmem:$0x50];
	_ =	sdelay $0x4  }
0x77: {  	v4 =	vshll.u32 v3, $0x3  }
0x78: {  	v3 =	vand.u32 $0x7, v3;
	v4 =	vand.u32 $0xFFFFFFC0, v4  }
0x79: {  	v3 =	vor.u32 v3, v4  }
0x7a: {  	v4 =	vperm.xlane v3, v0;
	_ =	sdelay $0x1  }
0x7b: {  	v4 =	vadd.s32 v1, v4;
	_ =	sdelay $0x4  }
0x7c: {  	[tilespmem:s29], [sflag:$0x4] =	stream.indirect_vreg.gather [hbm4b:s2+s3], $0x80, v4, vm0, $0xb8;
	[tilespmem:$0x18100] =	vst v63  }
0x7d: {  	v3 =	vperm.xlane v3, v2  }
0x7e: {  	[tilespmem:s30], [sflag:$0x4] =	stream.indirect_vreg.gather [hbm4b:s9+s3], $0x80, v4, vm0, $0xb8;
	[tilespmem:$0x18100] =	vst v63  }
0x7f: {  	v3 =	vadd.s32 v1, v3  }
0x80: {  	[tilespmem:s31], [sflag:$0x4] =	stream.indirect_vreg.gather [hbm4b:s10+s3], $0x80, v4, vm0, $0xb8;
	[tilespmem:$0x18100] =	vst v63  }
0x81: {  	_ = 	snop  }
0x82: {  	[tilespmem:s1], [sflag:$0x4] =	stream.indirect_vreg.gather [hbm4b:s12+s3], $0x80, v4, vm0, $0xb8;
	[tilespmem:$0x18100] =	vst v63  }
0x83: {  	_ = 	snop  }
0x84: {  	[tilespmem:s0], [sflag:$0x4] =	stream.indirect_vreg.gather [hbm4b:s2+s3], $0x80, v3, vm0, $0xb8;
	[tilespmem:$0x18100] =	vst v63  }
0x85: {  	_ = 	snop  }
0x86: {  	[tilespmem:s22], [sflag:$0x4] =	stream.indirect_vreg.gather [hbm4b:s9+s3], $0x80, v3, vm0, $0xb8;
	[tilespmem:$0x18100] =	vst v63  }
0x87: {  	_ = 	snop  }
0x88: {  	[tilespmem:s23], [sflag:$0x4] =	stream.indirect_vreg.gather [hbm4b:s10+s3], $0x80, v3, vm0, $0xb8;
	[tilespmem:$0x18100] =	vst v63  }
0x89: {  	_ = 	snop  }
0x8a: {  	[tilespmem:s24], [sflag:$0x4] =	stream.indirect_vreg.gather [hbm4b:s12+s3], $0x80, v3, vm0, $0xb8;
	[tilespmem:$0x18100] =	vst v63  }
0x8b: {  	s19 =	sand.u32 $0x6000, s3;
	s20 =	sand.u32 $0x1C00, s3;
	_ =	swait.ge [sflag:s5], $0x8000  }
0x8c: {  	s13 =	sor.u32 s20, s19;
	s21 =	sand.u32 $0x380, s3;
	[sflag:s5] =	ssyncset.done $0x0  }
0x8d: {  	s13 =	sor.u32 s21, s13;
	[sflag:s5] =	ssyncadd.s32 $0xFFFF8000  }
0x8e: {  	v3 =	vld [tilespmem:s13+$0x170]  }
0x8f: {  	v6 =	vld [tilespmem:s13+$0x100]  }
0x90: {  	v7 =	vld [tilespmem:s13+$0x110]  }
0x91: {  	v8 =	vld [tilespmem:s13+$0x120]  }
0x92: {  	v9 =	vld [tilespmem:s13+$0x130]  }
0x93: {  	v5 =	vld [tilespmem:s13+$0x140]  }
0x94: {  	v4 =	vld [tilespmem:s13+$0x160]  }
0x95: {  	[tilespmem:s13+$0x8170] =	vst.add.f32.msk $0xffff, v3  }
0x96: {  	v3 =	vld [tilespmem:s13+$0x150]  }
0x97: {  	[tilespmem:s13+$0x8100] =	vst.add.f32.msk $0xffff, v6  }
0x98: {  	[tilespmem:s13+$0x8110] =	vst.add.f32.msk $0xffff, v7  }
0x99: {  	s19 =	simm.s32 $0x80;
	[tilespmem:s13+$0x8120] =	vst.add.f32.msk $0xffff, v8  }
0x9a: {  	s14 =	simm.s32 $0x0;
	s17 =	simm.s32 $0x10;
	s18 =	simm.s32 $0x400;
	[tilespmem:s13+$0x8130] =	vst.add.f32.msk $0xffff, v9  }
.LBB2_2:
0x9b: {  	s20 =	sand.u32 $0x6000, s19;
	s21 =	sand.u32 $0x1C00, s18;
	s14 =	sadd.s32 $0x8, s14;
	[tilespmem:s13+$0x8140] =	vst.add.f32.msk $0xffff, v5  }
0x9c: {  	s20 =	sor.u32 s21, s20;
	s21 =	sand.u32 $0x380, s17;
	p0 =	slt.u32 s14, $0x7F8;
	[tilespmem:s13+$0x8150] =	vst.add.f32.msk $0xffff, v3  }
0x9d: {  	[tilespmem:s13+$0x8160] =	vst.add.f32.msk $0xffff, v4;
	s13 =	sor.u32 s21, s20  }
0x9e: {  	v3 =	vld [tilespmem:s13+$0x170]  }
0x9f: {  	v6 =	vld [tilespmem:s13+$0x100]  }
0xa0: {  	v7 =	vld [tilespmem:s13+$0x110]  }
0xa1: {  	v8 =	vld [tilespmem:s13+$0x120]  }
0xa2: {  	v9 =	vld [tilespmem:s13+$0x130]  }
0xa3: {  	[tilespmem:s13+$0x8170] =	vst.add.f32.msk $0xffff, v3  }
0xa4: {  	v5 =	vld [tilespmem:s13+$0x140]  }
0xa5: {  	v3 =	vld [tilespmem:s13+$0x150]  }
.Ltmp0:
0xa6: {  	v4 =	vld [tilespmem:s13+$0x160];
	(pc) =	sbr.rel @p0 .LBB2_2-.Ltmp0, $4  }
0xa7: {  	[tilespmem:s13+$0x8100] =	vst.add.f32.msk $0xffff, v6  }
0xa8: {  	[tilespmem:s13+$0x8110] =	vst.add.f32.msk $0xffff, v7  }
0xa9: {  	[tilespmem:s13+$0x8120] =	vst.add.f32.msk $0xffff, v8  }
0xaa: {  	s18 =	sadd.s32 $0x400, s18;
	s19 =	sadd.s32 $0x80, s19;
	s17 =	sadd.s32 $0x10, s17;
	[tilespmem:s13+$0x8130] =	vst.add.f32.msk $0xffff, v9  }
0xab: {  	[tilespmem:s13+$0x8140] =	vst.add.f32.msk $0xffff, v5  }
0xac: {  	[tilespmem:s13+$0x8150] =	vst.add.f32.msk $0xffff, v3  }
0xad: {  	[tilespmem:s13+$0x8160] =	vst.add.f32.msk $0xffff, v4  }
0xae: {  	s13 =	simm.s32 $0x0;
	s14 =	rddreg [dreg:$0xa]  }
0xaf: {  	[hbm4b:s14+s13] =	stream.linear.scatter [tilespmem:s28], [sflag:$0x5], $0x8000, $0x38;
	[tilespmem:$0x18100] =	vst v63  }
0xb0: {  	_ =	swait.ge [sflag:s6], $0x8000  }
0xb1: {  	[sflag:s6] =	ssyncset.done $0x0  }
0xb2: {  	[sflag:s6] =	ssyncadd.s32 $0xFFFF8000  }
0xb3: {  	_ =	swait.ge [sflag:s7], $0x8000  }
0xb4: {  	[sflag:s7] =	ssyncset.done $0x0  }
0xb5: {  	[sflag:s7] =	ssyncadd.s32 $0xFFFF8000  }
0xb6: {  	v3 =	vld [tilespmem:$0x80];
	_ =	sdelay $0x4  }
0xb7: {  	v4 =	vshll.u32 v3, $0x3  }
0xb8: {  	v3 =	vand.u32 $0x7, v3;
	v4 =	vand.u32 $0xFFFFFFC0, v4  }
0xb9: {  	v3 =	vor.u32 v3, v4  }
0xba: {  	v4 =	vperm.xlane v3, v0;
	_ =	sdelay $0x1  }
0xbb: {  	v4 =	vadd.s32 v1, v4;
	_ =	sdelay $0x4  }
0xbc: {  	[tilespmem:s28], [sflag:$0x3] =	stream.indirect_vreg.gather [hbm4b:s2+s13], $0x80, v4, vm0, $0xb8;
	[tilespmem:$0x18100] =	vst v63  }
0xbd: {  	s21 =	simm.s32 $0x8900;
	v3 =	vperm.xlane v3, v2  }
0xbe: {  	[tilespmem:s21], [sflag:$0x3] =	stream.indirect_vreg.gather [hbm4b:s9+s13], $0x80, v4, vm0, $0xb8;
	[tilespmem:$0x18100] =	vst v63  }
0xbf: {  	s17 =	simm.s32 $0x9100;
	v3 =	vadd.s32 v1, v3  }
0xc0: {  	[tilespmem:s17], [sflag:$0x3] =	stream.indirect_vreg.gather [hbm4b:s10+s13], $0x80, v4, vm0, $0xb8;
	[tilespmem:$0x18100] =	vst v63  }
0xc1: {  	s18 =	simm.s32 $0x9900  }
0xc2: {  	[tilespmem:s18], [sflag:$0x3] =	stream.indirect_vreg.gather [hbm4b:s12+s13], $0x80, v4, vm0, $0xb8;
	[tilespmem:$0x18100] =	vst v63  }
0xc3: {  	s19 =	simm.s32 $0xA100  }
0xc4: {  	[tilespmem:s19], [sflag:$0x3] =	stream.indirect_vreg.gather [hbm4b:s2+s13], $0x80, v3, vm0, $0xb8;
	[tilespmem:$0x18100] =	vst v63  }
0xc5: {  	s20 =	simm.s32 $0xA900  }
0xc6: {  	[tilespmem:s20], [sflag:$0x3] =	stream.indirect_vreg.gather [hbm4b:s9+s13], $0x80, v3, vm0, $0xb8;
	[tilespmem:$0x18100] =	vst v63  }
0xc7: {  	s21 =	simm.s32 $0xB100  }
0xc8: {  	[tilespmem:s21], [sflag:$0x3] =	stream.indirect_vreg.gather [hbm4b:s10+s13], $0x80, v3, vm0, $0xb8;
	[tilespmem:$0x18100] =	vst v63  }
0xc9: {  	s17 =	simm.s32 $0xB900  }
0xca: {  	[tilespmem:s17], [sflag:$0x3] =	stream.indirect_vreg.gather [hbm4b:s12+s13], $0x80, v3, vm0, $0xb8;
	[tilespmem:$0x18100] =	vst v63  }
0xcb: {  	v3 =	vld [tilespmem:$0x90];
	_ =	sdelay $0x4  }
0xcc: {  	v4 =	vshll.u32 v3, $0x3  }
0xcd: {  	v3 =	vand.u32 $0x7, v3;
	v4 =	vand.u32 $0xFFFFFFC0, v4  }
0xce: {  	v3 =	vor.u32 v3, v4  }
0xcf: {  	v4 =	vperm.xlane v3, v0;
	_ =	sdelay $0x1  }
0xd0: {  	v4 =	vadd.s32 v1, v4;
	_ =	sdelay $0x3  }
0xd1: {  	s18 =	simm.s32 $0xC100  }
0xd2: {  	[tilespmem:s18], [sflag:$0x3] =	stream.indirect_vreg.gather [hbm4b:s2+s13], $0x80, v4, vm0, $0xb8;
	[tilespmem:$0x18100] =	vst v63  }
0xd3: {  	s19 =	simm.s32 $0xC900;
	v3 =	vperm.xlane v3, v2  }
0xd4: {  	[tilespmem:s19], [sflag:$0x3] =	stream.indirect_vreg.gather [hbm4b:s9+s13], $0x80, v4, vm0, $0xb8;
	[tilespmem:$0x18100] =	vst v63  }
0xd5: {  	s20 =	simm.s32 $0xD100;
	v3 =	vadd.s32 v1, v3  }
0xd6: {  	[tilespmem:s20], [sflag:$0x3] =	stream.indirect_vreg.gather [hbm4b:s10+s13], $0x80, v4, vm0, $0xb8;
	[tilespmem:$0x18100] =	vst v63  }
0xd7: {  	s21 =	simm.s32 $0xD900  }
0xd8: {  	[tilespmem:s21], [sflag:$0x3] =	stream.indirect_vreg.gather [hbm4b:s12+s13], $0x80, v4, vm0, $0xb8;
	[tilespmem:$0x18100] =	vst v63  }
0xd9: {  	s17 =	simm.s32 $0xE100  }
0xda: {  	[tilespmem:s17], [sflag:$0x3] =	stream.indirect_vreg.gather [hbm4b:s2+s13], $0x80, v3, vm0, $0xb8;
	[tilespmem:$0x18100] =	vst v63  }
0xdb: {  	s18 =	simm.s32 $0xE900  }
0xdc: {  	[tilespmem:s18], [sflag:$0x3] =	stream.indirect_vreg.gather [hbm4b:s9+s13], $0x80, v3, vm0, $0xb8;
	[tilespmem:$0x18100] =	vst v63  }
0xdd: {  	s19 =	simm.s32 $0xF100  }
0xde: {  	[tilespmem:s19], [sflag:$0x3] =	stream.indirect_vreg.gather [hbm4b:s10+s13], $0x80, v3, vm0, $0xb8;
	[tilespmem:$0x18100] =	vst v63  }
0xdf: {  	s20 =	simm.s32 $0xF900;
	s21 =	sand.u32 $0x6000, s13;
	s17 =	sand.u32 $0x1C00, s13  }
0xe0: {  	[tilespmem:s20], [sflag:$0x3] =	stream.indirect_vreg.gather [hbm4b:s12+s13], $0x80, v3, vm0, $0xb8;
	[tilespmem:$0x18100] =	vst v63  }
0xe1: {  	s14 =	sor.u32 s17, s21;
	s13 =	sand.u32 $0x380, s13  }
0xe2: {  	s13 =	sor.u32 s13, s14  }
0xe3: {  	v3 =	vld [tilespmem:s13+$0x170]  }
0xe4: {  	v6 =	vld [tilespmem:s13+$0x100]  }
0xe5: {  	v7 =	vld [tilespmem:s13+$0x110]  }
0xe6: {  	v8 =	vld [tilespmem:s13+$0x120]  }
0xe7: {  	v9 =	vld [tilespmem:s13+$0x130]  }
0xe8: {  	v5 =	vld [tilespmem:s13+$0x140]  }
0xe9: {  	v4 =	vld [tilespmem:s13+$0x160]  }
0xea: {  	[tilespmem:s13+$0x10170] =	vst.add.f32.msk $0xffff, v3  }
0xeb: {  	v3 =	vld [tilespmem:s13+$0x150]  }
0xec: {  	[tilespmem:s13+$0x10100] =	vst.add.f32.msk $0xffff, v6  }
0xed: {  	[tilespmem:s13+$0x10110] =	vst.add.f32.msk $0xffff, v7  }
0xee: {  	s17 =	simm.s32 $0x10;
	[tilespmem:s13+$0x10120] =	vst.add.f32.msk $0xffff, v8  }
0xef: {  	s18 =	simm.s32 $0x400;
	s19 =	simm.s32 $0x80;
	s14 =	simm.s32 $0x0;
	[tilespmem:s13+$0x10130] =	vst.add.f32.msk $0xffff, v9  }
.LBB2_4:
0xf0: {  	s20 =	sand.u32 $0x6000, s19;
	s21 =	sand.u32 $0x1C00, s18;
	s14 =	sadd.s32 $0x8, s14;
	[tilespmem:s13+$0x10140] =	vst.add.f32.msk $0xffff, v5  }
0xf1: {  	s20 =	sor.u32 s21, s20;
	s21 =	sand.u32 $0x380, s17;
	p0 =	slt.u32 s14, $0x7F8;
	[tilespmem:s13+$0x10150] =	vst.add.f32.msk $0xffff, v3  }
0xf2: {  	[tilespmem:s13+$0x10160] =	vst.add.f32.msk $0xffff, v4;
	s13 =	sor.u32 s21, s20  }
0xf3: {  	v3 =	vld [tilespmem:s13+$0x170]  }
0xf4: {  	v6 =	vld [tilespmem:s13+$0x100]  }
0xf5: {  	v7 =	vld [tilespmem:s13+$0x110]  }
0xf6: {  	v8 =	vld [tilespmem:s13+$0x120]  }
0xf7: {  	v9 =	vld [tilespmem:s13+$0x130]  }
0xf8: {  	[tilespmem:s13+$0x10170] =	vst.add.f32.msk $0xffff, v3  }
0xf9: {  	v5 =	vld [tilespmem:s13+$0x140]  }
0xfa: {  	v3 =	vld [tilespmem:s13+$0x150]  }
.Ltmp1:
0xfb: {  	v4 =	vld [tilespmem:s13+$0x160];
	(pc) =	sbr.rel @p0 .LBB2_4-.Ltmp1, $4  }
0xfc: {  	[tilespmem:s13+$0x10100] =	vst.add.f32.msk $0xffff, v6  }
0xfd: {  	[tilespmem:s13+$0x10110] =	vst.add.f32.msk $0xffff, v7  }
0xfe: {  	[tilespmem:s13+$0x10120] =	vst.add.f32.msk $0xffff, v8  }
0xff: {  	s18 =	sadd.s32 $0x400, s18;
	s19 =	sadd.s32 $0x80, s19;
	s17 =	sadd.s32 $0x10, s17;
	[tilespmem:s13+$0x10130] =	vst.add.f32.msk $0xffff, v9  }
0x100: {  	[tilespmem:s13+$0x10140] =	vst.add.f32.msk $0xffff, v5  }
0x101: {  	[tilespmem:s13+$0x10150] =	vst.add.f32.msk $0xffff, v3  }
0x102: {  	[tilespmem:s13+$0x10160] =	vst.add.f32.msk $0xffff, v4  }
0x103: {  	s13 =	simm.s32 $0x0;
	s14 =	rddreg [dreg:$0xb]  }
0x104: {  	[hbm4b:s14+s13] =	stream.linear.scatter [tilespmem:s16], [sflag:$0x6], $0x8000, $0x38;
	[tilespmem:$0x18100] =	vst v63  }
0x105: {  	_ =	swait.ge [sflag:s15], $0x8000  }
0x106: {  	[sflag:s15] =	ssyncset.done $0x0  }
0x107: {  	[sflag:s15] =	ssyncadd.s32 $0xFFFF8000  }
0x108: {  	_ =	swait.ge [sflag:s8], $0x8000  }
0x109: {  	[sflag:s8] =	ssyncset.done $0x0  }
0x10a: {  	[sflag:s8] =	ssyncadd.s32 $0xFFFF8000  }
0x10b: {  	v3 =	vld [tilespmem:$0xC0];
	_ =	sdelay $0x4  }
0x10c: {  	v4 =	vshll.u32 v3, $0x3  }
0x10d: {  	v3 =	vand.u32 $0x7, v3;
	v4 =	vand.u32 $0xFFFFFFC0, v4  }
0x10e: {  	v3 =	vor.u32 v3, v4  }
0x10f: {  	v4 =	vperm.xlane v3, v0;
	_ =	sdelay $0x1  }
0x110: {  	v4 =	vadd.s32 v1, v4;
	_ =	sdelay $0x4  }
0x111: {  	[tilespmem:s16], [sflag:$0x4] =	stream.indirect_vreg.gather [hbm4b:s2+s13], $0x80, v4, vm0, $0xb8;
	[tilespmem:$0x18100] =	vst v63  }
0x112: {  	s21 =	simm.s32 $0x10900;
	v3 =	vperm.xlane v3, v2  }
0x113: {  	[tilespmem:s21], [sflag:$0x4] =	stream.indirect_vreg.gather [hbm4b:s9+s13], $0x80, v4, vm0, $0xb8;
	[tilespmem:$0x18100] =	vst v63  }
0x114: {  	s17 =	simm.s32 $0x11100;
	v3 =	vadd.s32 v1, v3  }
0x115: {  	[tilespmem:s17], [sflag:$0x4] =	stream.indirect_vreg.gather [hbm4b:s10+s13], $0x80, v4, vm0, $0xb8;
	[tilespmem:$0x18100] =	vst v63  }
0x116: {  	s18 =	simm.s32 $0x11900  }
0x117: {  	[tilespmem:s18], [sflag:$0x4] =	stream.indirect_vreg.gather [hbm4b:s12+s13], $0x80, v4, vm0, $0xb8;
	[tilespmem:$0x18100] =	vst v63  }
0x118: {  	s19 =	simm.s32 $0x12100  }
0x119: {  	[tilespmem:s19], [sflag:$0x4] =	stream.indirect_vreg.gather [hbm4b:s2+s13], $0x80, v3, vm0, $0xb8;
	[tilespmem:$0x18100] =	vst v63  }
0x11a: {  	s20 =	simm.s32 $0x12900  }
0x11b: {  	[tilespmem:s20], [sflag:$0x4] =	stream.indirect_vreg.gather [hbm4b:s9+s13], $0x80, v3, vm0, $0xb8;
	[tilespmem:$0x18100] =	vst v63  }
0x11c: {  	_ = 	snop  }
0x11d: {  	[tilespmem:s4], [sflag:$0x4] =	stream.indirect_vreg.gather [hbm4b:s10+s13], $0x80, v3, vm0, $0xb8;
	[tilespmem:$0x18100] =	vst v63  }
0x11e: {  	_ = 	snop  }
0x11f: {  	[tilespmem:s11], [sflag:$0x4] =	stream.indirect_vreg.gather [hbm4b:s12+s13], $0x80, v3, vm0, $0xb8;
	[tilespmem:$0x18100] =	vst v63  }
0x120: {  	v3 =	vld [tilespmem:$0xD0];
	_ =	sdelay $0x4  }
0x121: {  	v4 =	vshll.u32 v3, $0x3  }
0x122: {  	v3 =	vand.u32 $0x7, v3;
	v4 =	vand.u32 $0xFFFFFFC0, v4  }
0x123: {  	v3 =	vor.u32 v3, v4  }
0x124: {  	v4 =	vperm.xlane v3, v0;
	_ =	sdelay $0x1  }
0x125: {  	v4 =	vadd.s32 v1, v4;
	_ =	sdelay $0x4  }
0x126: {  	[tilespmem:s29], [sflag:$0x4] =	stream.indirect_vreg.gather [hbm4b:s2+s13], $0x80, v4, vm0, $0xb8;
	[tilespmem:$0x18100] =	vst v63  }
0x127: {  	v3 =	vperm.xlane v3, v2  }
0x128: {  	[tilespmem:s30], [sflag:$0x4] =	stream.indirect_vreg.gather [hbm4b:s9+s13], $0x80, v4, vm0, $0xb8;
	[tilespmem:$0x18100] =	vst v63  }
0x129: {  	v3 =	vadd.s32 v1, v3  }
0x12a: {  	[tilespmem:s31], [sflag:$0x4] =	stream.indirect_vreg.gather [hbm4b:s10+s13], $0x80, v4, vm0, $0xb8;
	[tilespmem:$0x18100] =	vst v63  }
0x12b: {  	_ = 	snop  }
0x12c: {  	[tilespmem:s1], [sflag:$0x4] =	stream.indirect_vreg.gather [hbm4b:s12+s13], $0x80, v4, vm0, $0xb8;
	[tilespmem:$0x18100] =	vst v63  }
0x12d: {  	_ = 	snop  }
0x12e: {  	[tilespmem:s0], [sflag:$0x4] =	stream.indirect_vreg.gather [hbm4b:s2+s13], $0x80, v3, vm0, $0xb8;
	[tilespmem:$0x18100] =	vst v63  }
0x12f: {  	_ = 	snop  }
0x130: {  	[tilespmem:s22], [sflag:$0x4] =	stream.indirect_vreg.gather [hbm4b:s9+s13], $0x80, v3, vm0, $0xb8;
	[tilespmem:$0x18100] =	vst v63  }
0x131: {  	_ = 	snop  }
0x132: {  	[tilespmem:s23], [sflag:$0x4] =	stream.indirect_vreg.gather [hbm4b:s10+s13], $0x80, v3, vm0, $0xb8;
	[tilespmem:$0x18100] =	vst v63  }
0x133: {  	s21 =	sand.u32 $0x6000, s13;
	s17 =	sand.u32 $0x1C00, s13  }
0x134: {  	[tilespmem:s24], [sflag:$0x4] =	stream.indirect_vreg.gather [hbm4b:s12+s13], $0x80, v3, vm0, $0xb8;
	[tilespmem:$0x18100] =	vst v63  }
0x135: {  	s14 =	sor.u32 s17, s21;
	s13 =	sand.u32 $0x380, s13  }
0x136: {  	s13 =	sor.u32 s13, s14  }
0x137: {  	v3 =	vld [tilespmem:s13+$0x170]  }
0x138: {  	v6 =	vld [tilespmem:s13+$0x100]  }
0x139: {  	v7 =	vld [tilespmem:s13+$0x110]  }
0x13a: {  	v8 =	vld [tilespmem:s13+$0x120]  }
0x13b: {  	v9 =	vld [tilespmem:s13+$0x130]  }
0x13c: {  	v5 =	vld [tilespmem:s13+$0x140]  }
0x13d: {  	v4 =	vld [tilespmem:s13+$0x160]  }
0x13e: {  	[tilespmem:s13+$0x8170] =	vst.add.f32.msk $0xffff, v3  }
0x13f: {  	v3 =	vld [tilespmem:s13+$0x150]  }
0x140: {  	[tilespmem:s13+$0x8100] =	vst.add.f32.msk $0xffff, v6  }
0x141: {  	[tilespmem:s13+$0x8110] =	vst.add.f32.msk $0xffff, v7  }
0x142: {  	s17 =	simm.s32 $0x10;
	[tilespmem:s13+$0x8120] =	vst.add.f32.msk $0xffff, v8  }
0x143: {  	s18 =	simm.s32 $0x400;
	s19 =	simm.s32 $0x80;
	s14 =	simm.s32 $0x0;
	[tilespmem:s13+$0x8130] =	vst.add.f32.msk $0xffff, v9  }
.LBB2_6:
0x144: {  	s20 =	sand.u32 $0x6000, s19;
	s21 =	sand.u32 $0x1C00, s18;
	s14 =	sadd.s32 $0x8, s14;
	[tilespmem:s13+$0x8140] =	vst.add.f32.msk $0xffff, v5  }
0x145: {  	s20 =	sor.u32 s21, s20;
	s21 =	sand.u32 $0x380, s17;
	p0 =	slt.u32 s14, $0x7F8;
	[tilespmem:s13+$0x8150] =	vst.add.f32.msk $0xffff, v3  }
0x146: {  	[tilespmem:s13+$0x8160] =	vst.add.f32.msk $0xffff, v4;
	s13 =	sor.u32 s21, s20  }
0x147: {  	v3 =	vld [tilespmem:s13+$0x170]  }
0x148: {  	v6 =	vld [tilespmem:s13+$0x100]  }
0x149: {  	v7 =	vld [tilespmem:s13+$0x110]  }
0x14a: {  	v8 =	vld [tilespmem:s13+$0x120]  }
0x14b: {  	v9 =	vld [tilespmem:s13+$0x130]  }
0x14c: {  	[tilespmem:s13+$0x8170] =	vst.add.f32.msk $0xffff, v3  }
0x14d: {  	v5 =	vld [tilespmem:s13+$0x140]  }
0x14e: {  	v3 =	vld [tilespmem:s13+$0x150]  }
.Ltmp2:
0x14f: {  	v4 =	vld [tilespmem:s13+$0x160];
	(pc) =	sbr.rel @p0 .LBB2_6-.Ltmp2, $4  }
0x150: {  	[tilespmem:s13+$0x8100] =	vst.add.f32.msk $0xffff, v6  }
0x151: {  	[tilespmem:s13+$0x8110] =	vst.add.f32.msk $0xffff, v7  }
0x152: {  	[tilespmem:s13+$0x8120] =	vst.add.f32.msk $0xffff, v8  }
0x153: {  	s18 =	sadd.s32 $0x400, s18;
	s19 =	sadd.s32 $0x80, s19;
	s17 =	sadd.s32 $0x10, s17;
	[tilespmem:s13+$0x8130] =	vst.add.f32.msk $0xffff, v9  }
0x154: {  	[tilespmem:s13+$0x8140] =	vst.add.f32.msk $0xffff, v5  }
0x155: {  	[tilespmem:s13+$0x8150] =	vst.add.f32.msk $0xffff, v3  }
0x156: {  	[tilespmem:s13+$0x8160] =	vst.add.f32.msk $0xffff, v4  }
0x157: {  	s13 =	simm.s32 $0x0;
	s14 =	rddreg [dreg:$0xc]  }
0x158: {  	[hbm4b:s14+s13] =	stream.linear.scatter [tilespmem:s28], [sflag:$0x5], $0x8000, $0x38;
	[tilespmem:$0x18100] =	vst v63  }
0x159: {  	_ =	swait.ge [sflag:s6], $0x8000  }
0x15a: {  	[sflag:s6] =	ssyncset.done $0x0  }
0x15b: {  	[sflag:s6] =	ssyncadd.s32 $0xFFFF8000  }
0x15c: {  	_ =	swait.ge [sflag:s7], $0x8000  }
0x15d: {  	[sflag:s7] =	ssyncset.done $0x0  }
0x15e: {  	[sflag:s7] =	ssyncadd.s32 $0xFFFF8000  }
0x15f: {  	v3 =	vld [tilespmem:$0x20];
	_ =	sdelay $0x4  }
0x160: {  	v4 =	vshll.u32 v3, $0x3  }
0x161: {  	v3 =	vand.u32 $0x7, v3;
	v4 =	vand.u32 $0xFFFFFFC0, v4  }
0x162: {  	v3 =	vor.u32 v3, v4  }
0x163: {  	v4 =	vperm.xlane v3, v0;
	_ =	sdelay $0x1  }
0x164: {  	v4 =	vadd.s32 v1, v4;
	_ =	sdelay $0x4  }
0x165: {  	[tilespmem:s28], [sflag:$0x3] =	stream.indirect_vreg.gather [hbm4b:s2+s13], $0x80, v4, vm0, $0xb8;
	[tilespmem:$0x18100] =	vst v63  }
0x166: {  	s21 =	simm.s32 $0x8900;
	v3 =	vperm.xlane v3, v2  }
0x167: {  	[tilespmem:s21], [sflag:$0x3] =	stream.indirect_vreg.gather [hbm4b:s9+s13], $0x80, v4, vm0, $0xb8;
	[tilespmem:$0x18100] =	vst v63  }
0x168: {  	s17 =	simm.s32 $0x9100;
	v3 =	vadd.s32 v1, v3  }
0x169: {  	[tilespmem:s17], [sflag:$0x3] =	stream.indirect_vreg.gather [hbm4b:s10+s13], $0x80, v4, vm0, $0xb8;
	[tilespmem:$0x18100] =	vst v63  }
0x16a: {  	s18 =	simm.s32 $0x9900  }
0x16b: {  	[tilespmem:s18], [sflag:$0x3] =	stream.indirect_vreg.gather [hbm4b:s12+s13], $0x80, v4, vm0, $0xb8;
	[tilespmem:$0x18100] =	vst v63  }
0x16c: {  	s19 =	simm.s32 $0xA100  }
0x16d: {  	[tilespmem:s19], [sflag:$0x3] =	stream.indirect_vreg.gather [hbm4b:s2+s13], $0x80, v3, vm0, $0xb8;
	[tilespmem:$0x18100] =	vst v63  }
0x16e: {  	s20 =	simm.s32 $0xA900  }
0x16f: {  	[tilespmem:s20], [sflag:$0x3] =	stream.indirect_vreg.gather [hbm4b:s9+s13], $0x80, v3, vm0, $0xb8;
	[tilespmem:$0x18100] =	vst v63  }
0x170: {  	s21 =	simm.s32 $0xB100  }
0x171: {  	[tilespmem:s21], [sflag:$0x3] =	stream.indirect_vreg.gather [hbm4b:s10+s13], $0x80, v3, vm0, $0xb8;
	[tilespmem:$0x18100] =	vst v63  }
0x172: {  	s17 =	simm.s32 $0xB900  }
0x173: {  	[tilespmem:s17], [sflag:$0x3] =	stream.indirect_vreg.gather [hbm4b:s12+s13], $0x80, v3, vm0, $0xb8;
	[tilespmem:$0x18100] =	vst v63  }
0x174: {  	v3 =	vld [tilespmem:$0x30];
	_ =	sdelay $0x4  }
0x175: {  	v4 =	vshll.u32 v3, $0x3  }
0x176: {  	v3 =	vand.u32 $0x7, v3;
	v4 =	vand.u32 $0xFFFFFFC0, v4  }
0x177: {  	v3 =	vor.u32 v3, v4  }
0x178: {  	v4 =	vperm.xlane v3, v0;
	_ =	sdelay $0x1  }
0x179: {  	v4 =	vadd.s32 v1, v4;
	_ =	sdelay $0x3  }
0x17a: {  	s18 =	simm.s32 $0xC100  }
0x17b: {  	[tilespmem:s18], [sflag:$0x3] =	stream.indirect_vreg.gather [hbm4b:s2+s13], $0x80, v4, vm0, $0xb8;
	[tilespmem:$0x18100] =	vst v63  }
0x17c: {  	s19 =	simm.s32 $0xC900;
	v3 =	vperm.xlane v3, v2  }
0x17d: {  	[tilespmem:s19], [sflag:$0x3] =	stream.indirect_vreg.gather [hbm4b:s9+s13], $0x80, v4, vm0, $0xb8;
	[tilespmem:$0x18100] =	vst v63  }
0x17e: {  	s20 =	simm.s32 $0xD100;
	v3 =	vadd.s32 v1, v3  }
0x17f: {  	[tilespmem:s20], [sflag:$0x3] =	stream.indirect_vreg.gather [hbm4b:s10+s13], $0x80, v4, vm0, $0xb8;
	[tilespmem:$0x18100] =	vst v63  }
0x180: {  	s21 =	simm.s32 $0xD900  }
0x181: {  	[tilespmem:s21], [sflag:$0x3] =	stream.indirect_vreg.gather [hbm4b:s12+s13], $0x80, v4, vm0, $0xb8;
	[tilespmem:$0x18100] =	vst v63  }
0x182: {  	s17 =	simm.s32 $0xE100  }
0x183: {  	[tilespmem:s17], [sflag:$0x3] =	stream.indirect_vreg.gather [hbm4b:s2+s13], $0x80, v3, vm0, $0xb8;
	[tilespmem:$0x18100] =	vst v63  }
0x184: {  	s18 =	simm.s32 $0xE900  }
0x185: {  	[tilespmem:s18], [sflag:$0x3] =	stream.indirect_vreg.gather [hbm4b:s9+s13], $0x80, v3, vm0, $0xb8;
	[tilespmem:$0x18100] =	vst v63  }
0x186: {  	s19 =	simm.s32 $0xF100  }
0x187: {  	[tilespmem:s19], [sflag:$0x3] =	stream.indirect_vreg.gather [hbm4b:s10+s13], $0x80, v3, vm0, $0xb8;
	[tilespmem:$0x18100] =	vst v63  }
0x188: {  	s20 =	simm.s32 $0xF900;
	s21 =	sand.u32 $0x6000, s13;
	s17 =	sand.u32 $0x1C00, s13  }
0x189: {  	[tilespmem:s20], [sflag:$0x3] =	stream.indirect_vreg.gather [hbm4b:s12+s13], $0x80, v3, vm0, $0xb8;
	[tilespmem:$0x18100] =	vst v63  }
0x18a: {  	s14 =	sor.u32 s17, s21;
	s13 =	sand.u32 $0x380, s13  }
0x18b: {  	s13 =	sor.u32 s13, s14  }
0x18c: {  	v3 =	vld [tilespmem:s13+$0x170]  }
0x18d: {  	v6 =	vld [tilespmem:s13+$0x100]  }
0x18e: {  	v7 =	vld [tilespmem:s13+$0x110]  }
0x18f: {  	v8 =	vld [tilespmem:s13+$0x120]  }
0x190: {  	v9 =	vld [tilespmem:s13+$0x130]  }
0x191: {  	v5 =	vld [tilespmem:s13+$0x140]  }
0x192: {  	v4 =	vld [tilespmem:s13+$0x160]  }
0x193: {  	[tilespmem:s13+$0x10170] =	vst.add.f32.msk $0xffff, v3  }
0x194: {  	v3 =	vld [tilespmem:s13+$0x150]  }
0x195: {  	[tilespmem:s13+$0x10100] =	vst.add.f32.msk $0xffff, v6  }
0x196: {  	[tilespmem:s13+$0x10110] =	vst.add.f32.msk $0xffff, v7  }
0x197: {  	s17 =	simm.s32 $0x10;
	[tilespmem:s13+$0x10120] =	vst.add.f32.msk $0xffff, v8  }
0x198: {  	s18 =	simm.s32 $0x400;
	s19 =	simm.s32 $0x80;
	s14 =	simm.s32 $0x0;
	[tilespmem:s13+$0x10130] =	vst.add.f32.msk $0xffff, v9  }
.LBB2_8:
0x199: {  	s20 =	sand.u32 $0x6000, s19;
	s21 =	sand.u32 $0x1C00, s18;
	s14 =	sadd.s32 $0x8, s14;
	[tilespmem:s13+$0x10140] =	vst.add.f32.msk $0xffff, v5  }
0x19a: {  	s20 =	sor.u32 s21, s20;
	s21 =	sand.u32 $0x380, s17;
	p0 =	slt.u32 s14, $0x7F8;
	[tilespmem:s13+$0x10150] =	vst.add.f32.msk $0xffff, v3  }
0x19b: {  	[tilespmem:s13+$0x10160] =	vst.add.f32.msk $0xffff, v4;
	s13 =	sor.u32 s21, s20  }
0x19c: {  	v3 =	vld [tilespmem:s13+$0x170]  }
0x19d: {  	v6 =	vld [tilespmem:s13+$0x100]  }
0x19e: {  	v7 =	vld [tilespmem:s13+$0x110]  }
0x19f: {  	v8 =	vld [tilespmem:s13+$0x120]  }
0x1a0: {  	v9 =	vld [tilespmem:s13+$0x130]  }
0x1a1: {  	[tilespmem:s13+$0x10170] =	vst.add.f32.msk $0xffff, v3  }
0x1a2: {  	v5 =	vld [tilespmem:s13+$0x140]  }
0x1a3: {  	v3 =	vld [tilespmem:s13+$0x150]  }
.Ltmp3:
0x1a4: {  	v4 =	vld [tilespmem:s13+$0x160];
	(pc) =	sbr.rel @p0 .LBB2_8-.Ltmp3, $4  }
0x1a5: {  	[tilespmem:s13+$0x10100] =	vst.add.f32.msk $0xffff, v6  }
0x1a6: {  	[tilespmem:s13+$0x10110] =	vst.add.f32.msk $0xffff, v7  }
0x1a7: {  	[tilespmem:s13+$0x10120] =	vst.add.f32.msk $0xffff, v8  }
0x1a8: {  	s18 =	sadd.s32 $0x400, s18;
	s19 =	sadd.s32 $0x80, s19;
	s17 =	sadd.s32 $0x10, s17;
	[tilespmem:s13+$0x10130] =	vst.add.f32.msk $0xffff, v9  }
0x1a9: {  	[tilespmem:s13+$0x10140] =	vst.add.f32.msk $0xffff, v5  }
0x1aa: {  	[tilespmem:s13+$0x10150] =	vst.add.f32.msk $0xffff, v3  }
0x1ab: {  	[tilespmem:s13+$0x10160] =	vst.add.f32.msk $0xffff, v4  }
0x1ac: {  	s13 =	simm.s32 $0x0;
	s17 =	simm.s32 $0x100;
	s14 =	rddreg [dreg:$0xd]  }
0x1ad: {  	[tilespmem:s17], [sflag:$0x1] =	stream.linear.gather [hbm4b:s14+s13], $0x8000, $0x38;
	[tilespmem:$0x18100] =	vst v63  }
0x1ae: {  	s19 =	rddreg [dreg:$0xe]  }
0x1af: {  	[hbm4b:s19+s13] =	stream.linear.scatter [tilespmem:s16], [sflag:$0x6], $0x8000, $0x38;
	[tilespmem:$0x18100] =	vst v63  }
0x1b0: {  	_ =	swait.ge [sflag:s15], $0x8000  }
0x1b1: {  	[sflag:s15] =	ssyncset.done $0x0  }
0x1b2: {  	[sflag:s15] =	ssyncadd.s32 $0xFFFF8000  }
0x1b3: {  	_ =	swait.ge [sflag:s8], $0x8000  }
0x1b4: {  	[sflag:s8] =	ssyncset.done $0x0  }
0x1b5: {  	[sflag:s8] =	ssyncadd.s32 $0xFFFF8000  }
0x1b6: {  	v3 =	vld [tilespmem:$0x60];
	_ =	sdelay $0x4  }
0x1b7: {  	v4 =	vshll.u32 v3, $0x3  }
0x1b8: {  	v3 =	vand.u32 $0x7, v3;
	v4 =	vand.u32 $0xFFFFFFC0, v4  }
0x1b9: {  	v3 =	vor.u32 v3, v4  }
0x1ba: {  	v4 =	vperm.xlane v3, v0;
	_ =	sdelay $0x1  }
0x1bb: {  	v4 =	vadd.s32 v1, v4;
	_ =	sdelay $0x4  }
0x1bc: {  	[tilespmem:s16], [sflag:$0x4] =	stream.indirect_vreg.gather [hbm4b:s2+s13], $0x80, v4, vm0, $0xb8;
	[tilespmem:$0x18100] =	vst v63  }
0x1bd: {  	s20 =	simm.s32 $0x10900;
	v3 =	vperm.xlane v3, v2  }
0x1be: {  	[tilespmem:s20], [sflag:$0x4] =	stream.indirect_vreg.gather [hbm4b:s9+s13], $0x80, v4, vm0, $0xb8;
	[tilespmem:$0x18100] =	vst v63  }
0x1bf: {  	s21 =	simm.s32 $0x11100;
	v3 =	vadd.s32 v1, v3  }
0x1c0: {  	[tilespmem:s21], [sflag:$0x4] =	stream.indirect_vreg.gather [hbm4b:s10+s13], $0x80, v4, vm0, $0xb8;
	[tilespmem:$0x18100] =	vst v63  }
0x1c1: {  	s17 =	simm.s32 $0x11900  }
0x1c2: {  	[tilespmem:s17], [sflag:$0x4] =	stream.indirect_vreg.gather [hbm4b:s12+s13], $0x80, v4, vm0, $0xb8;
	[tilespmem:$0x18100] =	vst v63  }
0x1c3: {  	s18 =	simm.s32 $0x12100  }
0x1c4: {  	[tilespmem:s18], [sflag:$0x4] =	stream.indirect_vreg.gather [hbm4b:s2+s13], $0x80, v3, vm0, $0xb8;
	[tilespmem:$0x18100] =	vst v63  }
0x1c5: {  	s19 =	simm.s32 $0x12900  }
0x1c6: {  	[tilespmem:s19], [sflag:$0x4] =	stream.indirect_vreg.gather [hbm4b:s9+s13], $0x80, v3, vm0, $0xb8;
	[tilespmem:$0x18100] =	vst v63  }
0x1c7: {  	_ = 	snop  }
0x1c8: {  	[tilespmem:s4], [sflag:$0x4] =	stream.indirect_vreg.gather [hbm4b:s10+s13], $0x80, v3, vm0, $0xb8;
	[tilespmem:$0x18100] =	vst v63  }
0x1c9: {  	_ = 	snop  }
0x1ca: {  	[tilespmem:s11], [sflag:$0x4] =	stream.indirect_vreg.gather [hbm4b:s12+s13], $0x80, v3, vm0, $0xb8;
	[tilespmem:$0x18100] =	vst v63  }
0x1cb: {  	v3 =	vld [tilespmem:$0x70];
	_ =	sdelay $0x4  }
0x1cc: {  	v4 =	vshll.u32 v3, $0x3  }
0x1cd: {  	v3 =	vand.u32 $0x7, v3;
	v4 =	vand.u32 $0xFFFFFFC0, v4  }
0x1ce: {  	v3 =	vor.u32 v3, v4  }
0x1cf: {  	v4 =	vperm.xlane v3, v0;
	_ =	sdelay $0x1  }
0x1d0: {  	v4 =	vadd.s32 v1, v4;
	_ =	sdelay $0x4  }
0x1d1: {  	[tilespmem:s29], [sflag:$0x4] =	stream.indirect_vreg.gather [hbm4b:s2+s13], $0x80, v4, vm0, $0xb8;
	[tilespmem:$0x18100] =	vst v63  }
0x1d2: {  	v3 =	vperm.xlane v3, v2  }
0x1d3: {  	[tilespmem:s30], [sflag:$0x4] =	stream.indirect_vreg.gather [hbm4b:s9+s13], $0x80, v4, vm0, $0xb8;
	[tilespmem:$0x18100] =	vst v63  }
0x1d4: {  	v3 =	vadd.s32 v1, v3  }
0x1d5: {  	[tilespmem:s31], [sflag:$0x4] =	stream.indirect_vreg.gather [hbm4b:s10+s13], $0x80, v4, vm0, $0xb8;
	[tilespmem:$0x18100] =	vst v63  }
0x1d6: {  	_ = 	snop  }
0x1d7: {  	[tilespmem:s1], [sflag:$0x4] =	stream.indirect_vreg.gather [hbm4b:s12+s13], $0x80, v4, vm0, $0xb8;
	[tilespmem:$0x18100] =	vst v63  }
0x1d8: {  	_ = 	snop  }
0x1d9: {  	[tilespmem:s0], [sflag:$0x4] =	stream.indirect_vreg.gather [hbm4b:s2+s13], $0x80, v3, vm0, $0xb8;
	[tilespmem:$0x18100] =	vst v63  }
0x1da: {  	_ = 	snop  }
0x1db: {  	[tilespmem:s22], [sflag:$0x4] =	stream.indirect_vreg.gather [hbm4b:s9+s13], $0x80, v3, vm0, $0xb8;
	[tilespmem:$0x18100] =	vst v63  }
0x1dc: {  	_ = 	snop  }
0x1dd: {  	[tilespmem:s23], [sflag:$0x4] =	stream.indirect_vreg.gather [hbm4b:s10+s13], $0x80, v3, vm0, $0xb8;
	[tilespmem:$0x18100] =	vst v63  }
0x1de: {  	_ = 	snop  }
0x1df: {  	[tilespmem:s24], [sflag:$0x4] =	stream.indirect_vreg.gather [hbm4b:s12+s13], $0x80, v3, vm0, $0xb8;
	[tilespmem:$0x18100] =	vst v63  }
0x1e0: {  	s20 =	sand.u32 $0x6000, s13;
	s21 =	sand.u32 $0x1C00, s13;
	_ =	swait.ge [sflag:s5], $0x8000  }
0x1e1: {  	s14 =	sor.u32 s21, s20;
	s13 =	sand.u32 $0x380, s13;
	[sflag:s5] =	ssyncset.done $0x0  }
0x1e2: {  	s13 =	sor.u32 s13, s14;
	[sflag:s5] =	ssyncadd.s32 $0xFFFF8000  }
0x1e3: {  	v3 =	vld [tilespmem:s13+$0x170]  }
0x1e4: {  	v6 =	vld [tilespmem:s13+$0x100]  }
0x1e5: {  	v7 =	vld [tilespmem:s13+$0x110]  }
0x1e6: {  	v8 =	vld [tilespmem:s13+$0x120]  }
0x1e7: {  	v9 =	vld [tilespmem:s13+$0x130]  }
0x1e8: {  	v5 =	vld [tilespmem:s13+$0x140]  }
0x1e9: {  	v4 =	vld [tilespmem:s13+$0x160]  }
0x1ea: {  	[tilespmem:s13+$0x8170] =	vst.add.f32.msk $0xffff, v3  }
0x1eb: {  	v3 =	vld [tilespmem:s13+$0x150]  }
0x1ec: {  	[tilespmem:s13+$0x8100] =	vst.add.f32.msk $0xffff, v6  }
0x1ed: {  	[tilespmem:s13+$0x8110] =	vst.add.f32.msk $0xffff, v7  }
0x1ee: {  	s17 =	simm.s32 $0x10;
	[tilespmem:s13+$0x8120] =	vst.add.f32.msk $0xffff, v8  }
0x1ef: {  	s18 =	simm.s32 $0x400;
	s19 =	simm.s32 $0x80;
	s14 =	simm.s32 $0x0;
	[tilespmem:s13+$0x8130] =	vst.add.f32.msk $0xffff, v9  }
.LBB2_10:
0x1f0: {  	s20 =	sand.u32 $0x6000, s19;
	s21 =	sand.u32 $0x1C00, s18;
	s14 =	sadd.s32 $0x8, s14;
	[tilespmem:s13+$0x8140] =	vst.add.f32.msk $0xffff, v5  }
0x1f1: {  	s20 =	sor.u32 s21, s20;
	s21 =	sand.u32 $0x380, s17;
	p0 =	slt.u32 s14, $0x7F8;
	[tilespmem:s13+$0x8150] =	vst.add.f32.msk $0xffff, v3  }
0x1f2: {  	[tilespmem:s13+$0x8160] =	vst.add.f32.msk $0xffff, v4;
	s13 =	sor.u32 s21, s20  }
0x1f3: {  	v3 =	vld [tilespmem:s13+$0x170]  }
0x1f4: {  	v6 =	vld [tilespmem:s13+$0x100]  }
0x1f5: {  	v7 =	vld [tilespmem:s13+$0x110]  }
0x1f6: {  	v8 =	vld [tilespmem:s13+$0x120]  }
0x1f7: {  	v9 =	vld [tilespmem:s13+$0x130]  }
0x1f8: {  	[tilespmem:s13+$0x8170] =	vst.add.f32.msk $0xffff, v3  }
0x1f9: {  	v5 =	vld [tilespmem:s13+$0x140]  }
0x1fa: {  	v3 =	vld [tilespmem:s13+$0x150]  }
.Ltmp4:
0x1fb: {  	v4 =	vld [tilespmem:s13+$0x160];
	(pc) =	sbr.rel @p0 .LBB2_10-.Ltmp4, $4  }
0x1fc: {  	[tilespmem:s13+$0x8100] =	vst.add.f32.msk $0xffff, v6  }
0x1fd: {  	[tilespmem:s13+$0x8110] =	vst.add.f32.msk $0xffff, v7  }
0x1fe: {  	[tilespmem:s13+$0x8120] =	vst.add.f32.msk $0xffff, v8  }
0x1ff: {  	s18 =	sadd.s32 $0x400, s18;
	s19 =	sadd.s32 $0x80, s19;
	s17 =	sadd.s32 $0x10, s17;
	[tilespmem:s13+$0x8130] =	vst.add.f32.msk $0xffff, v9  }
0x200: {  	[tilespmem:s13+$0x8140] =	vst.add.f32.msk $0xffff, v5  }
0x201: {  	[tilespmem:s13+$0x8150] =	vst.add.f32.msk $0xffff, v3  }
0x202: {  	[tilespmem:s13+$0x8160] =	vst.add.f32.msk $0xffff, v4  }
0x203: {  	s13 =	simm.s32 $0x0;
	s14 =	rddreg [dreg:$0xf]  }
0x204: {  	[hbm4b:s14+s13] =	stream.linear.scatter [tilespmem:s28], [sflag:$0x5], $0x8000, $0x38;
	[tilespmem:$0x18100] =	vst v63  }
0x205: {  	_ =	swait.ge [sflag:s6], $0x8000  }
0x206: {  	[sflag:s6] =	ssyncset.done $0x0  }
0x207: {  	[sflag:s6] =	ssyncadd.s32 $0xFFFF8000  }
0x208: {  	_ =	swait.ge [sflag:s7], $0x8000  }
0x209: {  	[sflag:s7] =	ssyncset.done $0x0  }
0x20a: {  	[sflag:s7] =	ssyncadd.s32 $0xFFFF8000  }
0x20b: {  	v3 =	vld [tilespmem:$0xA0];
	_ =	sdelay $0x4  }
0x20c: {  	v4 =	vshll.u32 v3, $0x3  }
0x20d: {  	v3 =	vand.u32 $0x7, v3;
	v4 =	vand.u32 $0xFFFFFFC0, v4  }
0x20e: {  	v3 =	vor.u32 v3, v4  }
0x20f: {  	v4 =	vperm.xlane v3, v0;
	_ =	sdelay $0x1  }
0x210: {  	v4 =	vadd.s32 v1, v4;
	_ =	sdelay $0x4  }
0x211: {  	[tilespmem:s28], [sflag:$0x3] =	stream.indirect_vreg.gather [hbm4b:s2+s13], $0x80, v4, vm0, $0xb8;
	[tilespmem:$0x18100] =	vst v63  }
0x212: {  	s21 =	simm.s32 $0x8900;
	v3 =	vperm.xlane v3, v2  }
0x213: {  	[tilespmem:s21], [sflag:$0x3] =	stream.indirect_vreg.gather [hbm4b:s9+s13], $0x80, v4, vm0, $0xb8;
	[tilespmem:$0x18100] =	vst v63  }
0x214: {  	s17 =	simm.s32 $0x9100;
	v3 =	vadd.s32 v1, v3  }
0x215: {  	[tilespmem:s17], [sflag:$0x3] =	stream.indirect_vreg.gather [hbm4b:s10+s13], $0x80, v4, vm0, $0xb8;
	[tilespmem:$0x18100] =	vst v63  }
0x216: {  	s18 =	simm.s32 $0x9900  }
0x217: {  	[tilespmem:s18], [sflag:$0x3] =	stream.indirect_vreg.gather [hbm4b:s12+s13], $0x80, v4, vm0, $0xb8;
	[tilespmem:$0x18100] =	vst v63  }
0x218: {  	s19 =	simm.s32 $0xA100  }
0x219: {  	[tilespmem:s19], [sflag:$0x3] =	stream.indirect_vreg.gather [hbm4b:s2+s13], $0x80, v3, vm0, $0xb8;
	[tilespmem:$0x18100] =	vst v63  }
0x21a: {  	s20 =	simm.s32 $0xA900  }
0x21b: {  	[tilespmem:s20], [sflag:$0x3] =	stream.indirect_vreg.gather [hbm4b:s9+s13], $0x80, v3, vm0, $0xb8;
	[tilespmem:$0x18100] =	vst v63  }
0x21c: {  	s21 =	simm.s32 $0xB100  }
0x21d: {  	[tilespmem:s21], [sflag:$0x3] =	stream.indirect_vreg.gather [hbm4b:s10+s13], $0x80, v3, vm0, $0xb8;
	[tilespmem:$0x18100] =	vst v63  }
0x21e: {  	s17 =	simm.s32 $0xB900  }
0x21f: {  	[tilespmem:s17], [sflag:$0x3] =	stream.indirect_vreg.gather [hbm4b:s12+s13], $0x80, v3, vm0, $0xb8;
	[tilespmem:$0x18100] =	vst v63  }
0x220: {  	v3 =	vld [tilespmem:$0xB0];
	_ =	sdelay $0x4  }
0x221: {  	v4 =	vshll.u32 v3, $0x3  }
0x222: {  	v3 =	vand.u32 $0x7, v3;
	v4 =	vand.u32 $0xFFFFFFC0, v4  }
0x223: {  	v3 =	vor.u32 v3, v4  }
0x224: {  	v4 =	vperm.xlane v3, v0;
	_ =	sdelay $0x1  }
0x225: {  	v4 =	vadd.s32 v1, v4;
	_ =	sdelay $0x3  }
0x226: {  	s18 =	simm.s32 $0xC100  }
0x227: {  	[tilespmem:s18], [sflag:$0x3] =	stream.indirect_vreg.gather [hbm4b:s2+s13], $0x80, v4, vm0, $0xb8;
	[tilespmem:$0x18100] =	vst v63  }
0x228: {  	s19 =	simm.s32 $0xC900;
	v3 =	vperm.xlane v3, v2  }
0x229: {  	[tilespmem:s19], [sflag:$0x3] =	stream.indirect_vreg.gather [hbm4b:s9+s13], $0x80, v4, vm0, $0xb8;
	[tilespmem:$0x18100] =	vst v63  }
0x22a: {  	s20 =	simm.s32 $0xD100;
	v3 =	vadd.s32 v1, v3  }
0x22b: {  	[tilespmem:s20], [sflag:$0x3] =	stream.indirect_vreg.gather [hbm4b:s10+s13], $0x80, v4, vm0, $0xb8;
	[tilespmem:$0x18100] =	vst v63  }
0x22c: {  	s21 =	simm.s32 $0xD900  }
0x22d: {  	[tilespmem:s21], [sflag:$0x3] =	stream.indirect_vreg.gather [hbm4b:s12+s13], $0x80, v4, vm0, $0xb8;
	[tilespmem:$0x18100] =	vst v63  }
0x22e: {  	s17 =	simm.s32 $0xE100  }
0x22f: {  	[tilespmem:s17], [sflag:$0x3] =	stream.indirect_vreg.gather [hbm4b:s2+s13], $0x80, v3, vm0, $0xb8;
	[tilespmem:$0x18100] =	vst v63  }
0x230: {  	s18 =	simm.s32 $0xE900  }
0x231: {  	[tilespmem:s18], [sflag:$0x3] =	stream.indirect_vreg.gather [hbm4b:s9+s13], $0x80, v3, vm0, $0xb8;
	[tilespmem:$0x18100] =	vst v63  }
0x232: {  	s19 =	simm.s32 $0xF100  }
0x233: {  	[tilespmem:s19], [sflag:$0x3] =	stream.indirect_vreg.gather [hbm4b:s10+s13], $0x80, v3, vm0, $0xb8;
	[tilespmem:$0x18100] =	vst v63  }
0x234: {  	s20 =	simm.s32 $0xF900;
	s21 =	sand.u32 $0x6000, s13;
	s17 =	sand.u32 $0x1C00, s13  }
0x235: {  	[tilespmem:s20], [sflag:$0x3] =	stream.indirect_vreg.gather [hbm4b:s12+s13], $0x80, v3, vm0, $0xb8;
	[tilespmem:$0x18100] =	vst v63  }
0x236: {  	s14 =	sor.u32 s17, s21;
	s13 =	sand.u32 $0x380, s13  }
0x237: {  	s13 =	sor.u32 s13, s14  }
0x238: {  	v3 =	vld [tilespmem:s13+$0x170]  }
0x239: {  	v6 =	vld [tilespmem:s13+$0x100]  }
0x23a: {  	v7 =	vld [tilespmem:s13+$0x110]  }
0x23b: {  	v8 =	vld [tilespmem:s13+$0x120]  }
0x23c: {  	v9 =	vld [tilespmem:s13+$0x130]  }
0x23d: {  	v5 =	vld [tilespmem:s13+$0x140]  }
0x23e: {  	v4 =	vld [tilespmem:s13+$0x160]  }
0x23f: {  	[tilespmem:s13+$0x10170] =	vst.add.f32.msk $0xffff, v3  }
0x240: {  	v3 =	vld [tilespmem:s13+$0x150]  }
0x241: {  	[tilespmem:s13+$0x10100] =	vst.add.f32.msk $0xffff, v6  }
0x242: {  	[tilespmem:s13+$0x10110] =	vst.add.f32.msk $0xffff, v7  }
0x243: {  	s17 =	simm.s32 $0x10;
	[tilespmem:s13+$0x10120] =	vst.add.f32.msk $0xffff, v8  }
0x244: {  	s18 =	simm.s32 $0x400;
	s19 =	simm.s32 $0x80;
	s14 =	simm.s32 $0x0;
	[tilespmem:s13+$0x10130] =	vst.add.f32.msk $0xffff, v9  }
.LBB2_12:
0x245: {  	s20 =	sand.u32 $0x6000, s19;
	s21 =	sand.u32 $0x1C00, s18;
	s14 =	sadd.s32 $0x8, s14;
	[tilespmem:s13+$0x10140] =	vst.add.f32.msk $0xffff, v5  }
0x246: {  	s20 =	sor.u32 s21, s20;
	s21 =	sand.u32 $0x380, s17;
	p0 =	slt.u32 s14, $0x7F8;
	[tilespmem:s13+$0x10150] =	vst.add.f32.msk $0xffff, v3  }
0x247: {  	[tilespmem:s13+$0x10160] =	vst.add.f32.msk $0xffff, v4;
	s13 =	sor.u32 s21, s20  }
0x248: {  	v3 =	vld [tilespmem:s13+$0x170]  }
0x249: {  	v6 =	vld [tilespmem:s13+$0x100]  }
0x24a: {  	v7 =	vld [tilespmem:s13+$0x110]  }
0x24b: {  	v8 =	vld [tilespmem:s13+$0x120]  }
0x24c: {  	v9 =	vld [tilespmem:s13+$0x130]  }
0x24d: {  	[tilespmem:s13+$0x10170] =	vst.add.f32.msk $0xffff, v3  }
0x24e: {  	v5 =	vld [tilespmem:s13+$0x140]  }
0x24f: {  	v3 =	vld [tilespmem:s13+$0x150]  }
.Ltmp5:
0x250: {  	v4 =	vld [tilespmem:s13+$0x160];
	(pc) =	sbr.rel @p0 .LBB2_12-.Ltmp5, $4  }
0x251: {  	[tilespmem:s13+$0x10100] =	vst.add.f32.msk $0xffff, v6  }
0x252: {  	[tilespmem:s13+$0x10110] =	vst.add.f32.msk $0xffff, v7  }
0x253: {  	[tilespmem:s13+$0x10120] =	vst.add.f32.msk $0xffff, v8  }
0x254: {  	s18 =	sadd.s32 $0x400, s18;
	s19 =	sadd.s32 $0x80, s19;
	s17 =	sadd.s32 $0x10, s17;
	[tilespmem:s13+$0x10130] =	vst.add.f32.msk $0xffff, v9  }
0x255: {  	[tilespmem:s13+$0x10140] =	vst.add.f32.msk $0xffff, v5  }
0x256: {  	[tilespmem:s13+$0x10150] =	vst.add.f32.msk $0xffff, v3  }
0x257: {  	[tilespmem:s13+$0x10160] =	vst.add.f32.msk $0xffff, v4  }
0x258: {  	s13 =	simm.s32 $0x0;
	s14 =	rddreg [dreg:$0x10]  }
0x259: {  	[hbm4b:s14+s13] =	stream.linear.scatter [tilespmem:s16], [sflag:$0x6], $0x8000, $0x38;
	[tilespmem:$0x18100] =	vst v63  }
0x25a: {  	_ =	swait.ge [sflag:s15], $0x8000  }
0x25b: {  	[sflag:s15] =	ssyncset.done $0x0  }
0x25c: {  	[sflag:s15] =	ssyncadd.s32 $0xFFFF8000  }
0x25d: {  	_ =	swait.ge [sflag:s8], $0x8000  }
0x25e: {  	[sflag:s8] =	ssyncset.done $0x0  }
0x25f: {  	[sflag:s8] =	ssyncadd.s32 $0xFFFF8000  }
0x260: {  	v3 =	vld [tilespmem:$0xE0];
	_ =	sdelay $0x4  }
0x261: {  	v4 =	vshll.u32 v3, $0x3  }
0x262: {  	v3 =	vand.u32 $0x7, v3;
	v4 =	vand.u32 $0xFFFFFFC0, v4  }
0x263: {  	v3 =	vor.u32 v3, v4  }
0x264: {  	v4 =	vperm.xlane v3, v0;
	_ =	sdelay $0x1  }
0x265: {  	v4 =	vadd.s32 v1, v4;
	_ =	sdelay $0x4  }
0x266: {  	[tilespmem:s16], [sflag:$0x4] =	stream.indirect_vreg.gather [hbm4b:s2+s13], $0x80, v4, vm0, $0xb8;
	[tilespmem:$0x18100] =	vst v63  }
0x267: {  	s21 =	simm.s32 $0x10900;
	v3 =	vperm.xlane v3, v2  }
0x268: {  	[tilespmem:s21], [sflag:$0x4] =	stream.indirect_vreg.gather [hbm4b:s9+s13], $0x80, v4, vm0, $0xb8;
	[tilespmem:$0x18100] =	vst v63  }
0x269: {  	s17 =	simm.s32 $0x11100;
	v3 =	vadd.s32 v1, v3  }
0x26a: {  	[tilespmem:s17], [sflag:$0x4] =	stream.indirect_vreg.gather [hbm4b:s10+s13], $0x80, v4, vm0, $0xb8;
	[tilespmem:$0x18100] =	vst v63  }
0x26b: {  	s18 =	simm.s32 $0x11900  }
0x26c: {  	[tilespmem:s18], [sflag:$0x4] =	stream.indirect_vreg.gather [hbm4b:s12+s13], $0x80, v4, vm0, $0xb8;
	[tilespmem:$0x18100] =	vst v63  }
0x26d: {  	s19 =	simm.s32 $0x12100  }
0x26e: {  	[tilespmem:s19], [sflag:$0x4] =	stream.indirect_vreg.gather [hbm4b:s2+s13], $0x80, v3, vm0, $0xb8;
	[tilespmem:$0x18100] =	vst v63  }
0x26f: {  	s20 =	simm.s32 $0x12900  }
0x270: {  	[tilespmem:s20], [sflag:$0x4] =	stream.indirect_vreg.gather [hbm4b:s9+s13], $0x80, v3, vm0, $0xb8;
	[tilespmem:$0x18100] =	vst v63  }
0x271: {  	_ = 	snop  }
0x272: {  	[tilespmem:s4], [sflag:$0x4] =	stream.indirect_vreg.gather [hbm4b:s10+s13], $0x80, v3, vm0, $0xb8;
	[tilespmem:$0x18100] =	vst v63  }
0x273: {  	_ = 	snop  }
0x274: {  	[tilespmem:s11], [sflag:$0x4] =	stream.indirect_vreg.gather [hbm4b:s12+s13], $0x80, v3, vm0, $0xb8;
	[tilespmem:$0x18100] =	vst v63  }
0x275: {  	v3 =	vld [tilespmem:$0xF0];
	_ =	sdelay $0x4  }
0x276: {  	v4 =	vshll.u32 v3, $0x3  }
0x277: {  	v3 =	vand.u32 $0x7, v3;
	v4 =	vand.u32 $0xFFFFFFC0, v4  }
0x278: {  	v3 =	vor.u32 v3, v4  }
0x279: {  	v4 =	vperm.xlane v3, v0;
	_ =	sdelay $0x1  }
0x27a: {  	v4 =	vadd.s32 v1, v4;
	_ =	sdelay $0x4  }
0x27b: {  	[tilespmem:s29], [sflag:$0x4] =	stream.indirect_vreg.gather [hbm4b:s2+s13], $0x80, v4, vm0, $0xb8;
	[tilespmem:$0x18100] =	vst v63  }
0x27c: {  	v3 =	vperm.xlane v3, v2  }
0x27d: {  	[tilespmem:s30], [sflag:$0x4] =	stream.indirect_vreg.gather [hbm4b:s9+s13], $0x80, v4, vm0, $0xb8;
	[tilespmem:$0x18100] =	vst v63  }
0x27e: {  	v3 =	vadd.s32 v1, v3  }
0x27f: {  	[tilespmem:s31], [sflag:$0x4] =	stream.indirect_vreg.gather [hbm4b:s10+s13], $0x80, v4, vm0, $0xb8;
	[tilespmem:$0x18100] =	vst v63  }
0x280: {  	_ = 	snop  }
0x281: {  	[tilespmem:s1], [sflag:$0x4] =	stream.indirect_vreg.gather [hbm4b:s12+s13], $0x80, v4, vm0, $0xb8;
	[tilespmem:$0x18100] =	vst v63  }
0x282: {  	_ = 	snop  }
0x283: {  	[tilespmem:s0], [sflag:$0x4] =	stream.indirect_vreg.gather [hbm4b:s2+s13], $0x80, v3, vm0, $0xb8;
	[tilespmem:$0x18100] =	vst v63  }
0x284: {  	_ = 	snop  }
0x285: {  	[tilespmem:s22], [sflag:$0x4] =	stream.indirect_vreg.gather [hbm4b:s9+s13], $0x80, v3, vm0, $0xb8;
	[tilespmem:$0x18100] =	vst v63  }
0x286: {  	_ = 	snop  }
0x287: {  	[tilespmem:s23], [sflag:$0x4] =	stream.indirect_vreg.gather [hbm4b:s10+s13], $0x80, v3, vm0, $0xb8;
	[tilespmem:$0x18100] =	vst v63  }
0x288: {  	s21 =	sand.u32 $0x6000, s13;
	s17 =	sand.u32 $0x1C00, s13  }
0x289: {  	[tilespmem:s24], [sflag:$0x4] =	stream.indirect_vreg.gather [hbm4b:s12+s13], $0x80, v3, vm0, $0xb8;
	[tilespmem:$0x18100] =	vst v63  }
0x28a: {  	s14 =	sor.u32 s17, s21;
	s13 =	sand.u32 $0x380, s13  }
0x28b: {  	s13 =	sor.u32 s13, s14  }
0x28c: {  	v3 =	vld [tilespmem:s13+$0x170]  }
0x28d: {  	v6 =	vld [tilespmem:s13+$0x100]  }
0x28e: {  	v7 =	vld [tilespmem:s13+$0x110]  }
0x28f: {  	v8 =	vld [tilespmem:s13+$0x120]  }
0x290: {  	v9 =	vld [tilespmem:s13+$0x130]  }
0x291: {  	v5 =	vld [tilespmem:s13+$0x140]  }
0x292: {  	v4 =	vld [tilespmem:s13+$0x160]  }
0x293: {  	[tilespmem:s13+$0x8170] =	vst.add.f32.msk $0xffff, v3  }
0x294: {  	v3 =	vld [tilespmem:s13+$0x150]  }
0x295: {  	[tilespmem:s13+$0x8100] =	vst.add.f32.msk $0xffff, v6  }
0x296: {  	[tilespmem:s13+$0x8110] =	vst.add.f32.msk $0xffff, v7  }
0x297: {  	s17 =	simm.s32 $0x10;
	[tilespmem:s13+$0x8120] =	vst.add.f32.msk $0xffff, v8  }
0x298: {  	s18 =	simm.s32 $0x400;
	s19 =	simm.s32 $0x80;
	s14 =	simm.s32 $0x0;
	[tilespmem:s13+$0x8130] =	vst.add.f32.msk $0xffff, v9  }
.LBB2_14:
0x299: {  	s20 =	sand.u32 $0x6000, s19;
	s21 =	sand.u32 $0x1C00, s18;
	s14 =	sadd.s32 $0x8, s14;
	[tilespmem:s13+$0x8140] =	vst.add.f32.msk $0xffff, v5  }
0x29a: {  	s20 =	sor.u32 s21, s20;
	s21 =	sand.u32 $0x380, s17;
	p0 =	slt.u32 s14, $0x7F8;
	[tilespmem:s13+$0x8150] =	vst.add.f32.msk $0xffff, v3  }
0x29b: {  	[tilespmem:s13+$0x8160] =	vst.add.f32.msk $0xffff, v4;
	s13 =	sor.u32 s21, s20  }
0x29c: {  	v3 =	vld [tilespmem:s13+$0x170]  }
0x29d: {  	v6 =	vld [tilespmem:s13+$0x100]  }
0x29e: {  	v7 =	vld [tilespmem:s13+$0x110]  }
0x29f: {  	v8 =	vld [tilespmem:s13+$0x120]  }
0x2a0: {  	v9 =	vld [tilespmem:s13+$0x130]  }
0x2a1: {  	[tilespmem:s13+$0x8170] =	vst.add.f32.msk $0xffff, v3  }
0x2a2: {  	v5 =	vld [tilespmem:s13+$0x140]  }
0x2a3: {  	v3 =	vld [tilespmem:s13+$0x150]  }
.Ltmp6:
0x2a4: {  	v4 =	vld [tilespmem:s13+$0x160];
	(pc) =	sbr.rel @p0 .LBB2_14-.Ltmp6, $4  }
0x2a5: {  	[tilespmem:s13+$0x8100] =	vst.add.f32.msk $0xffff, v6  }
0x2a6: {  	[tilespmem:s13+$0x8110] =	vst.add.f32.msk $0xffff, v7  }
0x2a7: {  	[tilespmem:s13+$0x8120] =	vst.add.f32.msk $0xffff, v8  }
0x2a8: {  	s18 =	sadd.s32 $0x400, s18;
	s19 =	sadd.s32 $0x80, s19;
	s17 =	sadd.s32 $0x10, s17;
	[tilespmem:s13+$0x8130] =	vst.add.f32.msk $0xffff, v9  }
0x2a9: {  	[tilespmem:s13+$0x8140] =	vst.add.f32.msk $0xffff, v5  }
0x2aa: {  	[tilespmem:s13+$0x8150] =	vst.add.f32.msk $0xffff, v3  }
0x2ab: {  	[tilespmem:s13+$0x8160] =	vst.add.f32.msk $0xffff, v4  }
0x2ac: {  	s20 =	simm.s32 $0x0;
	s14 =	rddreg [dreg:$0x11]  }
0x2ad: {  	[hbm4b:s14+s20] =	stream.linear.scatter [tilespmem:s28], [sflag:$0x5], $0x8000, $0x38;
	[tilespmem:$0x18100] =	vst v63  }
0x2ae: {  	s21 =	sand.u32 $0x6000, s20;
	s17 =	sand.u32 $0x1C00, s20;
	_ =	swait.ge [sflag:s6], $0x8000  }
0x2af: {  	s13 =	sand.u32 $0x380, s20;
	s14 =	sor.u32 s17, s21;
	[sflag:s6] =	ssyncset.done $0x0  }
0x2b0: {  	s13 =	sor.u32 s13, s14;
	[sflag:s6] =	ssyncadd.s32 $0xFFFF8000  }
0x2b1: {  	v3 =	vld [tilespmem:s13+$0x170]  }
0x2b2: {  	v6 =	vld [tilespmem:s13+$0x100]  }
0x2b3: {  	v7 =	vld [tilespmem:s13+$0x110]  }
0x2b4: {  	v8 =	vld [tilespmem:s13+$0x120]  }
0x2b5: {  	v9 =	vld [tilespmem:s13+$0x130]  }
0x2b6: {  	v5 =	vld [tilespmem:s13+$0x140]  }
0x2b7: {  	v4 =	vld [tilespmem:s13+$0x160]  }
0x2b8: {  	[tilespmem:s13+$0x10170] =	vst.add.f32.msk $0xffff, v3  }
0x2b9: {  	v3 =	vld [tilespmem:s13+$0x150]  }
0x2ba: {  	[tilespmem:s13+$0x10100] =	vst.add.f32.msk $0xffff, v6  }
0x2bb: {  	[tilespmem:s13+$0x10110] =	vst.add.f32.msk $0xffff, v7  }
0x2bc: {  	s18 =	simm.s32 $0x400;
	[tilespmem:s13+$0x10120] =	vst.add.f32.msk $0xffff, v8  }
0x2bd: {  	s19 =	simm.s32 $0x80;
	s17 =	simm.s32 $0x10;
	s14 =	simm.s32 $0x0;
	[tilespmem:s13+$0x10130] =	vst.add.f32.msk $0xffff, v9  }
.LBB2_16:
0x2be: {  	s20 =	sand.u32 $0x6000, s19;
	s21 =	sand.u32 $0x1C00, s18;
	s14 =	sadd.s32 $0x8, s14;
	[tilespmem:s13+$0x10140] =	vst.add.f32.msk $0xffff, v5  }
0x2bf: {  	s20 =	sor.u32 s21, s20;
	s21 =	sand.u32 $0x380, s17;
	p0 =	slt.u32 s14, $0x7F8;
	[tilespmem:s13+$0x10150] =	vst.add.f32.msk $0xffff, v3  }
0x2c0: {  	[tilespmem:s13+$0x10160] =	vst.add.f32.msk $0xffff, v4;
	s13 =	sor.u32 s21, s20  }
0x2c1: {  	v3 =	vld [tilespmem:s13+$0x170]  }
0x2c2: {  	v6 =	vld [tilespmem:s13+$0x100]  }
0x2c3: {  	v7 =	vld [tilespmem:s13+$0x110]  }
0x2c4: {  	v8 =	vld [tilespmem:s13+$0x120]  }
0x2c5: {  	v9 =	vld [tilespmem:s13+$0x130]  }
0x2c6: {  	[tilespmem:s13+$0x10170] =	vst.add.f32.msk $0xffff, v3  }
0x2c7: {  	v5 =	vld [tilespmem:s13+$0x140]  }
0x2c8: {  	v3 =	vld [tilespmem:s13+$0x150]  }
.Ltmp7:
0x2c9: {  	v4 =	vld [tilespmem:s13+$0x160];
	(pc) =	sbr.rel @p0 .LBB2_16-.Ltmp7, $4  }
0x2ca: {  	[tilespmem:s13+$0x10100] =	vst.add.f32.msk $0xffff, v6  }
0x2cb: {  	[tilespmem:s13+$0x10110] =	vst.add.f32.msk $0xffff, v7  }
0x2cc: {  	[tilespmem:s13+$0x10120] =	vst.add.f32.msk $0xffff, v8  }
0x2cd: {  	s18 =	sadd.s32 $0x400, s18;
	s19 =	sadd.s32 $0x80, s19;
	s17 =	sadd.s32 $0x10, s17;
	[tilespmem:s13+$0x10130] =	vst.add.f32.msk $0xffff, v9  }
0x2ce: {  	[tilespmem:s13+$0x10140] =	vst.add.f32.msk $0xffff, v5  }
0x2cf: {  	[tilespmem:s13+$0x10150] =	vst.add.f32.msk $0xffff, v3  }
0x2d0: {  	[tilespmem:s13+$0x10160] =	vst.add.f32.msk $0xffff, v4  }
0x2d1: {  	s13 =	rddreg [dreg:$0x12]  }
0x2d2: {  	[hbm4b:s13+s3] =	stream.linear.scatter [tilespmem:s16], [sflag:$0x6], $0x8000, $0x38;
	[tilespmem:$0x18100] =	vst v63  }
0x2d3: {  	_ =	swait.ge [sflag:s7], $0x8000  }
0x2d4: {  	[sflag:s7] =	ssyncset.done $0x0  }
0x2d5: {  	[sflag:s7] =	ssyncadd.s32 $0xFFFF8000  }
0x2d6: {  	_ =	swait.ge [sflag:s8], $0x8000  }
0x2d7: {  	s25 =	sadd.s32 $0x1, s25;
	s21 =	rddreg [dreg:$0x13]  }
0x2d8: {  	p0 =	sne.s32 s25, s21  }
.Ltmp8:
0x2d9: {  	_ = 	snop;
	(pc) =	sbr.rel @p0 .LBB2_1-.Ltmp8, $3  }
0x2da: {  	_ =	sdelay $0x1  }
0x2db: {  	[sflag:s8] =	ssyncset.done $0x0  }
0x2dc: {  	[sflag:s8] =	ssyncadd.s32 $0xFFFF8000  }
0x2dd: {  	_ =	sfence.sel $0x180000  }
0x2de: {  	[bflag:$0x0] =	sbarrier.arrive $0xFFFF  }
0x2df: {  	_ =	strace $0x90000047  }
0x2e0: {  	s0 =	stileid.u32;
	[bflag:$0x2] =	sbarrier.arrive $0xFFFF  }
0x2e1: {  	p0 =	sne.s32 s0, $0x0;
	s0 =	rddreg [dreg:$0x4]  }
0x2e2: {  	s0 =	sadd.s32 @!p0 $0x100000, s0  }
0x2e3: {  	[sflag:s0] =	ssyncadd.tile.s32 @!p0 $0x1;
	_ =	shalt  }
.Lfunc_end2:
_tile_overlayer_lowered:
.L_overlay_start_2:
0x2e4: {  	(tag) =	ssettag $0x2  }
0x2e5: {  	s0 =	rddreg [dreg:$0x0];
	s2 =	stileid.u32  }
0x2e6: {  	s1 =	rddreg [dreg:$0x1];
	p0 =	sne.s32 s2, $0x0  }
0x2e7: {  	s3 =	rddreg [dreg:$0x2];
	[bflag:$0x3] =	sbarrier.arrive $0xFFFF;
	s2 =	simm.s32 @!p0 $0x1C07  }
0x2e8: {  	[timem:s3], [sflag:s2] =	dma.local @!p0 [hbm:s0], s1  }
0x2e9: {  	s0 =	simm.s32 @!p0 $0x7  }
0x2ea: {  	_ =	swait.ge @!p0 [sflag:s0], s1  }
0x2eb: {  	s1 =	ssub.s32 @!p0 $0x0, s1;
	[sflag:s0] =	ssyncset.done @!p0 $0x0  }
0x2ec: {  	[sflag:s0] =	ssyncadd.s32 @!p0 s1  }
0x2ed: {  	[bflag:$0x3] =	sbarrier.arrive $0xFFFF  }
0x2ee: {  	_ =	shalt  }

</sc_bundles>
